<compile_context>
chip_gen: v7x
topology: tpu7x:2x2x1
jax: 0.10.2.dev20260603
libtpu: 0.0.44.dev20260713+nightly
codegen_flags: <defaults>
</compile_context>

<pallas_src>
import functools

import jax
import jax.numpy as jnp
from jax import lax
from jax.experimental import pallas as pl
from jax.experimental.pallas import tpu as pltpu
from jax.experimental.pallas import tpu_sc as plsc

_NC = 2
_NS = 16
_LANES = 16
_BLK = 128
_SUB = 8
_CHUNK = _BLK * _SUB


def _mm_body(x_ref, w_ref, o_ref):
    o_ref[...] = jnp.dot(x_ref[...], w_ref[...],
                         preferred_element_type=jnp.float32)


def _matmul(x, w, bm):
    n, k = x.shape
    f = w.shape[1]
    return pl.pallas_call(
        _mm_body,
        grid=(pl.cdiv(n, bm),),
        in_specs=[pl.BlockSpec((bm, k), lambda i: (i, 0)),
                  pl.BlockSpec((k, f), lambda i: (0, 0))],
        out_specs=pl.BlockSpec((bm, f), lambda i: (i, 0)),
        out_shape=jax.ShapeDtypeStruct((n, f), jnp.float32),
    )(x, w)


def _make_spmm(n_nodes, e_pad, feat):
    nw = _NC * _NS
    epw = e_pad // nw
    n_chunks = epw // _CHUNK
    rows_per_tile = n_nodes // _NS
    mesh = plsc.VectorSubcoreMesh(core_axis_name="c", subcore_axis_name="s")

    @functools.partial(
        pl.kernel,
        out_type=jax.ShapeDtypeStruct((_NC, n_nodes, feat), jnp.float32),
        mesh=mesh,
        compiler_params=pltpu.CompilerParams(
            needs_layout_passes=False, use_tc_tiling_on_sc=False),
        scratch_types=[
            pltpu.VMEM((_SUB, _BLK), jnp.int32),
            pltpu.VMEM((_SUB, _BLK), jnp.int32),
            pltpu.VMEM((_CHUNK,), jnp.float32),
            pltpu.VMEM((_CHUNK, feat), jnp.float32),
            pltpu.VMEM_SHARED((n_nodes, feat), jnp.float32),
            pltpu.SemaphoreType.DMA,
            pltpu.SemaphoreType.DMA,
        ],
    )
    def spmm(src_hbm, dst_hbm, w_hbm, h_hbm, zeros_hbm, out_hbm,
             src_v, dst_v, w_v, rows_v, acc, sem_e, sem_g):
        c = lax.axis_index("c")
        s = lax.axis_index("s")
        wid = c * _NS + s
        pltpu.sync_copy(zeros_hbm,
                        acc.at[pl.ds(s * rows_per_tile, rows_per_tile)])
        plsc.subcore_barrier()

        base_row = wid * (epw // _BLK)

        def chunk_body(ci, carry):
            row0 = base_row + ci * _SUB
            ce1 = pltpu.async_copy(src_hbm.at[pl.ds(row0, _SUB), :],
                                   src_v, sem_e)
            ce2 = pltpu.async_copy(dst_hbm.at[pl.ds(row0, _SUB), :],
                                   dst_v, sem_e)
            ce3 = pltpu.async_copy(w_hbm.at[pl.ds(row0 * _BLK, _CHUNK)],
                                   w_v, sem_e)
            ce1.wait()
            ce2.wait()
            ce3.wait()
            descs = []
            for j in range(_SUB):
                descs.append(pltpu.async_copy(
                    h_hbm.at[src_v.at[j]],
                    rows_v.at[pl.ds(j * _BLK, _BLK)], sem_g))
            for d in descs:
                d.wait()
            lane = lax.iota(jnp.int32, _LANES)

            def scale_body(e, cy):
                idx = jnp.full((_LANES,), e, jnp.int32)
                wspl = plsc.load_gather(w_v, [idx])
                row = plsc.load_gather(rows_v, [idx, lane])
                plsc.store_scatter(rows_v, [idx, lane], row * wspl)
                return cy

            lax.fori_loop(0, _CHUNK, scale_body, 0, unroll=4)
            for j in range(_SUB):
                pltpu.sync_copy(rows_v.at[pl.ds(j * _BLK, _BLK)],
                                acc.at[dst_v.at[j]], add=True)
            return carry

        lax.fori_loop(0, n_chunks, chunk_body, 0)

        plsc.subcore_barrier()
        pltpu.sync_copy(acc.at[pl.ds(s * rows_per_tile, rows_per_tile)],
                        out_hbm.at[c, pl.ds(s * rows_per_tile, rows_per_tile)])

    return spmm


def _l1_body(p_ref, b_ref, w_ref, o_ref):
    h = jnp.maximum(p_ref[0] + p_ref[1] + b_ref[...], 0.0)
    o_ref[...] = jnp.dot(h, w_ref[...], preferred_element_type=jnp.float32)


def _l2_body(q_ref, b_ref, o_ref):
    z = q_ref[0] + q_ref[1] + b_ref[...]
    col = lax.broadcasted_iota(jnp.int32, z.shape, 1)
    valid = col < 7
    zm = jnp.where(valid, z, -jnp.inf)
    m = jnp.max(zm, axis=1, keepdims=True)
    ez = jnp.where(valid, jnp.exp(z - m), 0.0)
    lse = jnp.log(jnp.sum(ez, axis=1, keepdims=True))
    res = z - m - lse
    o_ref[...] = res[:, :7]


def kernel(x, edge_index, edge_weight, W1, b1, W2, b2):
    n, f_in = x.shape
    f_hid = W1.shape[1]
    f_out = W2.shape[1]
    e = edge_weight.shape[0]
    feat = _LANES
    n_pad = ((n + 127) // 128) * 128

    unit = _NC * _NS * _CHUNK
    e_pad = ((e + unit - 1) // unit) * unit
    pad = e_pad - e
    dst = jnp.pad(edge_index[0], (0, pad)).reshape(e_pad // _BLK, _BLK)
    src = jnp.pad(edge_index[1], (0, pad)).reshape(e_pad // _BLK, _BLK)
    w = jnp.pad(edge_weight, (0, pad))
    zeros = jnp.zeros((n_pad // _NS, feat), jnp.float32)
    w2p = jnp.pad(W2, ((0, 0), (0, feat - f_out)))
    b1r = b1.reshape(1, f_hid)
    b2r = jnp.pad(b2, (0, feat - f_out)).reshape(1, feat)

    spmm = _make_spmm(n_pad, e_pad, feat)

    support1 = _matmul(x, W1, 1024)
    p = spmm(src, dst, w, support1, zeros)

    bm = 2048
    s2 = pl.pallas_call(
        _l1_body,
        grid=(pl.cdiv(n, bm),),
        in_specs=[pl.BlockSpec((_NC, bm, f_hid), lambda i: (0, i, 0)),
                  pl.BlockSpec((1, f_hid), lambda i: (0, 0)),
                  pl.BlockSpec((f_hid, feat), lambda i: (0, 0))],
        out_specs=pl.BlockSpec((bm, feat), lambda i: (i, 0)),
        out_shape=jax.ShapeDtypeStruct((n, feat), jnp.float32),
    )(p, b1r, w2p)

    q = spmm(src, dst, w, s2, zeros)

    out = pl.pallas_call(
        _l2_body,
        grid=(pl.cdiv(n, bm),),
        in_specs=[pl.BlockSpec((_NC, bm, feat), lambda i: (0, i, 0)),
                  pl.BlockSpec((1, feat), lambda i: (0, 0))],
        out_specs=pl.BlockSpec((bm, f_out), lambda i: (i, 0)),
        out_shape=jax.ShapeDtypeStruct((n, f_out), jnp.float32),
    )(q, b2r)
    return out

# --- scband reference (transcript-rebuilt; emitter-appended) ---
"""Pipeline reference for scband-method-gcn-62483184222789 (READ-ONLY COPY).

The authoritative reference and input builder live on the scoring server;
editing this copy changes nothing except your own understanding.
"""

import jax, jax.numpy as jnp
import numpy as np

N = 100000
E = 3200000
F_IN = 1433
F_HID = 16
F_OUT = 7


def setup_inputs(seed: int = 0) -> dict:
    key = jax.random.key(seed)
    ks = jax.random.split(key, 8)
    x = jax.random.normal(ks[0], (N, F_IN), dtype=jnp.float32)
    edge_index = jax.random.randint(ks[1], (2, E), 0, N, dtype=jnp.int32)
    edge_weight = jax.random.uniform(ks[2], (E,), dtype=jnp.float32)
    # Learned parameters of the two GraphConvolution layers
    W1 = jax.random.normal(ks[3], (F_IN, F_HID), dtype=jnp.float32) * (1.0 / np.sqrt(F_IN))
    b1 = jnp.zeros((F_HID,), dtype=jnp.float32)
    W2 = jax.random.normal(ks[4], (F_HID, F_OUT), dtype=jnp.float32) * (1.0 / np.sqrt(F_HID))
    b2 = jnp.zeros((F_OUT,), dtype=jnp.float32)
    return {"x": x, "edge_index": edge_index, "edge_weight": edge_weight,
            "W1": W1, "b1": b1, "W2": W2, "b2": b2}


def _spmm(edge_index, edge_weight, h, num_nodes):
    # sparse adjacency (dst <- src) times dense matrix h, SparseCore-style
    dst = edge_index[0]
    src = edge_index[1]
    msgs = jnp.take(h, src, axis=0) * edge_weight[:, None]   # gather
    return jax.ops.segment_sum(msgs, dst, num_segments=num_nodes)  # scatter-add


def reference(x, edge_index, edge_weight, W1, b1, W2, b2):
    n = x.shape[0]
    # GraphConvolution 1: out = spmm(adj, x @ W1) + b1
    support1 = x @ W1
    h = _spmm(edge_index, edge_weight, support1, n) + b1
    h = jax.nn.relu(h)
    # GraphConvolution 2: out = spmm(adj, h @ W2) + b2
    support2 = h @ W2
    h = _spmm(edge_index, edge_weight, support2, n) + b2
    return jax.nn.log_softmax(h, axis=1)

if __name__ == "__main__":
    import jax
    _d = setup_inputs()
    print(jax.jit(kernel)(*tuple(_d.values())))

</pallas_src>

<mosaic_0001>
#map = affine_map<(d0, d1) -> (0, 0)>
#map1 = affine_map<(d0, d1) -> (0)>
#map2 = affine_map<(d0, d1) -> (0, 0, 0)>
module attributes {stable_mosaic.version = 14 : i64} {
  func.func @spmm(%arg0: i32, %arg1: i32, %arg2: memref<25088x128xi32, #tpu.memory_space<hbm>>, %arg3: memref<25088x128xi32, #tpu.memory_space<hbm>>, %arg4: memref<3211264xf32, #tpu.memory_space<hbm>>, %arg5: memref<100000x16xf32, #tpu.memory_space<hbm>>, %arg6: memref<6256x16xf32, #tpu.memory_space<hbm>>, %arg7: memref<2x100096x16xf32, #tpu.memory_space<hbm>>, %arg8: memref<8x128xi32, #tpu.memory_space<vmem>>, %arg9: memref<8x128xi32, #tpu.memory_space<vmem>>, %arg10: memref<1024xf32, #tpu.memory_space<vmem>>, %arg11: memref<1024x16xf32, #tpu.memory_space<vmem>>, %arg12: memref<100096x16xf32, #tpu.memory_space<vmem_shared>>, %arg13: memref<!tpu.dma_semaphore, #tpu.memory_space<semaphore_mem>>, %arg14: memref<!tpu.dma_semaphore, #tpu.memory_space<semaphore_mem>>) attributes {dimension_semantics = [#tpu.dimension_semantics<core_parallel>, #tpu.dimension_semantics<subcore_parallel>], iteration_bounds = array<i64: 2, 16>, scalar_prefetch = 0 : i64, scratch_operands = 7 : i64, tpu.core_type = #tpu.core_type<sc_vector_subcore>, window_params = [{transform_indices = #map}, {transform_indices = #map}, {transform_indices = #map1}, {transform_indices = #map}, {transform_indices = #map}, {transform_indices = #map2}]} {
    %mul3A = arith.constant 16 : i32
    %mul3A_0 = arith.muli %arg0, %mul3A : i32
    %add3A = arith.addi %mul3A_0, %arg1 : i32
    %mul3A_1 = arith.constant 6256 : i32
    %mul3A_2 = arith.muli %arg1, %mul3A_1 : i32
    "tpu.region"() ({
      %run_scoped3A = tpu.sem_alloc : memref<!tpu.dma_semaphore, #tpu.memory_space<semaphore_mem>>
      %dma_start3A = arith.constant 0 : i32
      %dma_start3A_15 = tpu.memref_slice %arg12[%mul3A_2, %dma_start3A] : memref<100096x16xf32, #tpu.memory_space<vmem_shared>> -> memref<6256x16xf32, #tpu.memory_space<vmem_shared>>
      tpu.enqueue_dma source(%arg6 : memref<6256x16xf32, #tpu.memory_space<hbm>>) target(%dma_start3A_15 : memref<6256x16xf32, #tpu.memory_space<vmem_shared>>) target_semaphore(%run_scoped3A : memref<!tpu.dma_semaphore, #tpu.memory_space<semaphore_mem>>)
      %dma_wait3A = arith.constant 0 : i32
      %dma_wait3A_16 = tpu.memref_slice %arg12[%mul3A_2, %dma_wait3A] : memref<100096x16xf32, #tpu.memory_space<vmem_shared>> -> memref<6256x16xf32, #tpu.memory_space<vmem_shared>>
      tpu.wait_dma2 semaphore(%run_scoped3A : memref<!tpu.dma_semaphore, #tpu.memory_space<semaphore_mem>>) src(%arg6 : memref<6256x16xf32, #tpu.memory_space<hbm>>) dst(%dma_wait3A_16 : memref<6256x16xf32, #tpu.memory_space<vmem_shared>>)
      tpu.yield
    }) : () -> ()
    %barrier3A = arith.constant 0 : index
    tpu.barrier barrier_id(%barrier3A)
    %mul3A_3 = arith.constant 784 : i32
    %mul3A_4 = arith.muli %add3A, %mul3A_3 : i32
    %scan3A = arith.constant 0 : i32
    %scan3A_5 = arith.constant 0 : i32
    %scan3A_6 = arith.constant 98 : i32
    %scan3A_7 = arith.addi %scan3A_5, %scan3A_6 : i32
    %scan3A_8 = arith.constant 1 : i32
    scf.for %scan3A_15 = %scan3A_5 to %scan3A_7 step %scan3A_8  : i32 {
      %mul3A_16 = arith.constant 8 : i32
      %mul3A_17 = arith.muli %scan3A_15, %mul3A_16 : i32
      %add3A_18 = arith.addi %mul3A_4, %mul3A_17 : i32
      %dma_start3A = arith.constant 0 : i32
      %dma_start3A_19 = tpu.memref_slice %arg2[%add3A_18, %dma_start3A] : memref<25088x128xi32, #tpu.memory_space<hbm>> -> memref<8x128xi32, #tpu.memory_space<hbm>>
      %dma_start3A_20 = arith.constant 0 : i32
      %dma_start3A_21 = tpu.memref_slice %arg2[%add3A_18, %dma_start3A_20] : memref<25088x128xi32, #tpu.memory_space<hbm>> -> memref<8x128xi32, #tpu.memory_space<hbm>>
      tpu.enqueue_dma source(%dma_start3A_21 : memref<8x128xi32, #tpu.memory_space<hbm>>) target(%arg8 : memref<8x128xi32, #tpu.memory_space<vmem>>) target_semaphore(%arg13 : memref<!tpu.dma_semaphore, #tpu.memory_space<semaphore_mem>>)
      %dma_start3A_22 = arith.constant 0 : i32
      %dma_start3A_23 = tpu.memref_slice %arg3[%add3A_18, %dma_start3A_22] : memref<25088x128xi32, #tpu.memory_space<hbm>> -> memref<8x128xi32, #tpu.memory_space<hbm>>
      %dma_start3A_24 = arith.constant 0 : i32
      %dma_start3A_25 = tpu.memref_slice %arg3[%add3A_18, %dma_start3A_24] : memref<25088x128xi32, #tpu.memory_space<hbm>> -> memref<8x128xi32, #tpu.memory_space<hbm>>
      tpu.enqueue_dma source(%dma_start3A_25 : memref<8x128xi32, #tpu.memory_space<hbm>>) target(%arg9 : memref<8x128xi32, #tpu.memory_space<vmem>>) target_semaphore(%arg13 : memref<!tpu.dma_semaphore, #tpu.memory_space<semaphore_mem>>)
      %mul3A_26 = arith.constant 128 : i32
      %mul3A_27 = arith.muli %add3A_18, %mul3A_26 : i32
      %dma_start3A_28 = tpu.memref_slice %arg4[%mul3A_27] : memref<3211264xf32, #tpu.memory_space<hbm>> -> memref<1024xf32, #tpu.memory_space<hbm>>
      %dma_start3A_29 = tpu.memref_slice %arg4[%mul3A_27] : memref<3211264xf32, #tpu.memory_space<hbm>> -> memref<1024xf32, #tpu.memory_space<hbm>>
      tpu.enqueue_dma source(%dma_start3A_29 : memref<1024xf32, #tpu.memory_space<hbm>>) target(%arg10 : memref<1024xf32, #tpu.memory_space<vmem>>) target_semaphore(%arg13 : memref<!tpu.dma_semaphore, #tpu.memory_space<semaphore_mem>>)
      %dma_wait3A = arith.constant 0 : i32
      %dma_wait3A_30 = tpu.memref_slice %arg2[%add3A_18, %dma_wait3A] : memref<25088x128xi32, #tpu.memory_space<hbm>> -> memref<8x128xi32, #tpu.memory_space<hbm>>
      %dma_wait3A_31 = arith.constant 0 : i32
      %dma_wait3A_32 = tpu.memref_slice %arg2[%add3A_18, %dma_wait3A_31] : memref<25088x128xi32, #tpu.memory_space<hbm>> -> memref<8x128xi32, #tpu.memory_space<hbm>>
      tpu.wait_dma2 semaphore(%arg13 : memref<!tpu.dma_semaphore, #tpu.memory_space<semaphore_mem>>) src(%dma_wait3A_32 : memref<8x128xi32, #tpu.memory_space<hbm>>) dst(%arg8 : memref<8x128xi32, #tpu.memory_space<vmem>>)
      %dma_wait3A_33 = arith.constant 0 : i32
      %dma_wait3A_34 = tpu.memref_slice %arg3[%add3A_18, %dma_wait3A_33] : memref<25088x128xi32, #tpu.memory_space<hbm>> -> memref<8x128xi32, #tpu.memory_space<hbm>>
      %dma_wait3A_35 = arith.constant 0 : i32
      %dma_wait3A_36 = tpu.memref_slice %arg3[%add3A_18, %dma_wait3A_35] : memref<25088x128xi32, #tpu.memory_space<hbm>> -> memref<8x128xi32, #tpu.memory_space<hbm>>
      tpu.wait_dma2 semaphore(%arg13 : memref<!tpu.dma_semaphore, #tpu.memory_space<semaphore_mem>>) src(%dma_wait3A_36 : memref<8x128xi32, #tpu.memory_space<hbm>>) dst(%arg9 : memref<8x128xi32, #tpu.memory_space<vmem>>)
      %dma_wait3A_37 = tpu.memref_slice %arg4[%mul3A_27] : memref<3211264xf32, #tpu.memory_space<hbm>> -> memref<1024xf32, #tpu.memory_space<hbm>>
      %dma_wait3A_38 = tpu.memref_slice %arg4[%mul3A_27] : memref<3211264xf32, #tpu.memory_space<hbm>> -> memref<1024xf32, #tpu.memory_space<hbm>>
      tpu.wait_dma2 semaphore(%arg13 : memref<!tpu.dma_semaphore, #tpu.memory_space<semaphore_mem>>) src(%dma_wait3A_38 : memref<1024xf32, #tpu.memory_space<hbm>>) dst(%arg10 : memref<1024xf32, #tpu.memory_space<vmem>>)
      %dma_start3A_39 = arith.constant 0 : i32
      %dma_start3A_40 = arith.constant 0 : i32
      %dma_start3A_41 = arith.constant 0 : i32
      %dma_start3A_42 = tpu.memref_slice %arg11[%dma_start3A_40, %dma_start3A_41] : memref<1024x16xf32, #tpu.memory_space<vmem>> -> memref<128x16xf32, #tpu.memory_space<vmem>>
      %dma_start3A_43 = arith.constant 0 : i32
      %dma_start3A_44 = tpu.memref_slice %arg8[%dma_start3A_39, %dma_start3A_43] : memref<8x128xi32, #tpu.memory_space<vmem>> -> memref<1x128xi32, #tpu.memory_space<vmem>>
      %dma_start3A_45 = tpu.memref_squeeze %dma_start3A_44 : memref<1x128xi32, #tpu.memory_space<vmem>> -> memref<128xi32, #tpu.memory_space<vmem>>
      %dma_start3A_46 = arith.constant 0 : i32
      %dma_start3A_47 = arith.constant 0 : i32
      %dma_start3A_48 = tpu.memref_slice %arg5[%dma_start3A_46, %dma_start3A_47] : memref<100000x16xf32, #tpu.memory_space<hbm>> -> memref<100000x16xf32, #tpu.memory_space<hbm>>
      tpu.enqueue_indirect_dma source(%dma_start3A_48 : memref<100000x16xf32, #tpu.memory_space<hbm>>) target(%dma_start3A_42 : memref<128x16xf32, #tpu.memory_space<vmem>>) offsets(%dma_start3A_45 : memref<128xi32, #tpu.memory_space<vmem>>) semaphore(%arg14 : memref<!tpu.dma_semaphore, #tpu.memory_space<semaphore_mem>>)
      %dma_start3A_49 = arith.constant 1 : i32
      %dma_start3A_50 = arith.constant 128 : i32
      %dma_start3A_51 = arith.constant 0 : i32
      %dma_start3A_52 = tpu.memref_slice %arg11[%dma_start3A_50, %dma_start3A_51] : memref<1024x16xf32, #tpu.memory_space<vmem>> -> memref<128x16xf32, #tpu.memory_space<vmem>>
      %dma_start3A_53 = arith.constant 0 : i32
      %dma_start3A_54 = tpu.memref_slice %arg8[%dma_start3A_49, %dma_start3A_53] : memref<8x128xi32, #tpu.memory_space<vmem>> -> memref<1x128xi32, #tpu.memory_space<vmem>>
      %dma_start3A_55 = tpu.memref_squeeze %dma_start3A_54 : memref<1x128xi32, #tpu.memory_space<vmem>> -> memref<128xi32, #tpu.memory_space<vmem>>
      %dma_start3A_56 = arith.constant 0 : i32
      %dma_start3A_57 = arith.constant 0 : i32
      %dma_start3A_58 = tpu.memref_slice %arg5[%dma_start3A_56, %dma_start3A_57] : memref<100000x16xf32, #tpu.memory_space<hbm>> -> memref<100000x16xf32, #tpu.memory_space<hbm>>
      tpu.enqueue_indirect_dma source(%dma_start3A_58 : memref<100000x16xf32, #tpu.memory_space<hbm>>) target(%dma_start3A_52 : memref<128x16xf32, #tpu.memory_space<vmem>>) offsets(%dma_start3A_55 : memref<128xi32, #tpu.memory_space<vmem>>) semaphore(%arg14 : memref<!tpu.dma_semaphore, #tpu.memory_space<semaphore_mem>>)
      %dma_start3A_59 = arith.constant 2 : i32
      %dma_start3A_60 = arith.constant 256 : i32
      %dma_start3A_61 = arith.constant 0 : i32
      %dma_start3A_62 = tpu.memref_slice %arg11[%dma_start3A_60, %dma_start3A_61] : memref<1024x16xf32, #tpu.memory_space<vmem>> -> memref<128x16xf32, #tpu.memory_space<vmem>>
      %dma_start3A_63 = arith.constant 0 : i32
      %dma_start3A_64 = tpu.memref_slice %arg8[%dma_start3A_59, %dma_start3A_63] : memref<8x128xi32, #tpu.memory_space<vmem>> -> memref<1x128xi32, #tpu.memory_space<vmem>>
      %dma_start3A_65 = tpu.memref_squeeze %dma_start3A_64 : memref<1x128xi32, #tpu.memory_space<vmem>> -> memref<128xi32, #tpu.memory_space<vmem>>
      %dma_start3A_66 = arith.constant 0 : i32
      %dma_start3A_67 = arith.constant 0 : i32
      %dma_start3A_68 = tpu.memref_slice %arg5[%dma_start3A_66, %dma_start3A_67] : memref<100000x16xf32, #tpu.memory_space<hbm>> -> memref<100000x16xf32, #tpu.memory_space<hbm>>
      tpu.enqueue_indirect_dma source(%dma_start3A_68 : memref<100000x16xf32, #tpu.memory_space<hbm>>) target(%dma_start3A_62 : memref<128x16xf32, #tpu.memory_space<vmem>>) offsets(%dma_start3A_65 : memref<128xi32, #tpu.memory_space<vmem>>) semaphore(%arg14 : memref<!tpu.dma_semaphore, #tpu.memory_space<semaphore_mem>>)
      %dma_start3A_69 = arith.constant 3 : i32
      %dma_start3A_70 = arith.constant 384 : i32
      %dma_start3A_71 = arith.constant 0 : i32
      %dma_start3A_72 = tpu.memref_slice %arg11[%dma_start3A_70, %dma_start3A_71] : memref<1024x16xf32, #tpu.memory_space<vmem>> -> memref<128x16xf32, #tpu.memory_space<vmem>>
      %dma_start3A_73 = arith.constant 0 : i32
      %dma_start3A_74 = tpu.memref_slice %arg8[%dma_start3A_69, %dma_start3A_73] : memref<8x128xi32, #tpu.memory_space<vmem>> -> memref<1x128xi32, #tpu.memory_space<vmem>>
      %dma_start3A_75 = tpu.memref_squeeze %dma_start3A_74 : memref<1x128xi32, #tpu.memory_space<vmem>> -> memref<128xi32, #tpu.memory_space<vmem>>
      %dma_start3A_76 = arith.constant 0 : i32
      %dma_start3A_77 = arith.constant 0 : i32
      %dma_start3A_78 = tpu.memref_slice %arg5[%dma_start3A_76, %dma_start3A_77] : memref<100000x16xf32, #tpu.memory_space<hbm>> -> memref<100000x16xf32, #tpu.memory_space<hbm>>
      tpu.enqueue_indirect_dma source(%dma_start3A_78 : memref<100000x16xf32, #tpu.memory_space<hbm>>) target(%dma_start3A_72 : memref<128x16xf32, #tpu.memory_space<vmem>>) offsets(%dma_start3A_75 : memref<128xi32, #tpu.memory_space<vmem>>) semaphore(%arg14 : memref<!tpu.dma_semaphore, #tpu.memory_space<semaphore_mem>>)
      %dma_start3A_79 = arith.constant 4 : i32
      %dma_start3A_80 = arith.constant 512 : i32
      %dma_start3A_81 = arith.constant 0 : i32
      %dma_start3A_82 = tpu.memref_slice %arg11[%dma_start3A_80, %dma_start3A_81] : memref<1024x16xf32, #tpu.memory_space<vmem>> -> memref<128x16xf32, #tpu.memory_space<vmem>>
      %dma_start3A_83 = arith.constant 0 : i32
      %dma_start3A_84 = tpu.memref_slice %arg8[%dma_start3A_79, %dma_start3A_83] : memref<8x128xi32, #tpu.memory_space<vmem>> -> memref<1x128xi32, #tpu.memory_space<vmem>>
      %dma_start3A_85 = tpu.memref_squeeze %dma_start3A_84 : memref<1x128xi32, #tpu.memory_space<vmem>> -> memref<128xi32, #tpu.memory_space<vmem>>
      %dma_start3A_86 = arith.constant 0 : i32
      %dma_start3A_87 = arith.constant 0 : i32
      %dma_start3A_88 = tpu.memref_slice %arg5[%dma_start3A_86, %dma_start3A_87] : memref<100000x16xf32, #tpu.memory_space<hbm>> -> memref<100000x16xf32, #tpu.memory_space<hbm>>
      tpu.enqueue_indirect_dma source(%dma_start3A_88 : memref<100000x16xf32, #tpu.memory_space<hbm>>) target(%dma_start3A_82 : memref<128x16xf32, #tpu.memory_space<vmem>>) offsets(%dma_start3A_85 : memref<128xi32, #tpu.memory_space<vmem>>) semaphore(%arg14 : memref<!tpu.dma_semaphore, #tpu.memory_space<semaphore_mem>>)
      %dma_start3A_89 = arith.constant 5 : i32
      %dma_start3A_90 = arith.constant 640 : i32
      %dma_start3A_91 = arith.constant 0 : i32
      %dma_start3A_92 = tpu.memref_slice %arg11[%dma_start3A_90, %dma_start3A_91] : memref<1024x16xf32, #tpu.memory_space<vmem>> -> memref<128x16xf32, #tpu.memory_space<vmem>>
      %dma_start3A_93 = arith.constant 0 : i32
      %dma_start3A_94 = tpu.memref_slice %arg8[%dma_start3A_89, %dma_start3A_93] : memref<8x128xi32, #tpu.memory_space<vmem>> -> memref<1x128xi32, #tpu.memory_space<vmem>>
      %dma_start3A_95 = tpu.memref_squeeze %dma_start3A_94 : memref<1x128xi32, #tpu.memory_space<vmem>> -> memref<128xi32, #tpu.memory_space<vmem>>
      %dma_start3A_96 = arith.constant 0 : i32
      %dma_start3A_97 = arith.constant 0 : i32
      %dma_start3A_98 = tpu.memref_slice %arg5[%dma_start3A_96, %dma_start3A_97] : memref<100000x16xf32, #tpu.memory_space<hbm>> -> memref<100000x16xf32, #tpu.memory_space<hbm>>
      tpu.enqueue_indirect_dma source(%dma_start3A_98 : memref<100000x16xf32, #tpu.memory_space<hbm>>) target(%dma_start3A_92 : memref<128x16xf32, #tpu.memory_space<vmem>>) offsets(%dma_start3A_95 : memref<128xi32, #tpu.memory_space<vmem>>) semaphore(%arg14 : memref<!tpu.dma_semaphore, #tpu.memory_space<semaphore_mem>>)
      %dma_start3A_99 = arith.constant 6 : i32
      %dma_start3A_100 = arith.constant 768 : i32
      %dma_start3A_101 = arith.constant 0 : i32
      %dma_start3A_102 = tpu.memref_slice %arg11[%dma_start3A_100, %dma_start3A_101] : memref<1024x16xf32, #tpu.memory_space<vmem>> -> memref<128x16xf32, #tpu.memory_space<vmem>>
      %dma_start3A_103 = arith.constant 0 : i32
      %dma_start3A_104 = tpu.memref_slice %arg8[%dma_start3A_99, %dma_start3A_103] : memref<8x128xi32, #tpu.memory_space<vmem>> -> memref<1x128xi32, #tpu.memory_space<vmem>>
      %dma_start3A_105 = tpu.memref_squeeze %dma_start3A_104 : memref<1x128xi32, #tpu.memory_space<vmem>> -> memref<128xi32, #tpu.memory_space<vmem>>
      %dma_start3A_106 = arith.constant 0 : i32
      %dma_start3A_107 = arith.constant 0 : i32
      %dma_start3A_108 = tpu.memref_slice %arg5[%dma_start3A_106, %dma_start3A_107] : memref<100000x16xf32, #tpu.memory_space<hbm>> -> memref<100000x16xf32, #tpu.memory_space<hbm>>
      tpu.enqueue_indirect_dma source(%dma_start3A_108 : memref<100000x16xf32, #tpu.memory_space<hbm>>) target(%dma_start3A_102 : memref<128x16xf32, #tpu.memory_space<vmem>>) offsets(%dma_start3A_105 : memref<128xi32, #tpu.memory_space<vmem>>) semaphore(%arg14 : memref<!tpu.dma_semaphore, #tpu.memory_space<semaphore_mem>>)
      %dma_start3A_109 = arith.constant 7 : i32
      %dma_start3A_110 = arith.constant 896 : i32
      %dma_start3A_111 = arith.constant 0 : i32
      %dma_start3A_112 = tpu.memref_slice %arg11[%dma_start3A_110, %dma_start3A_111] : memref<1024x16xf32, #tpu.memory_space<vmem>> -> memref<128x16xf32, #tpu.memory_space<vmem>>
      %dma_start3A_113 = arith.constant 0 : i32
      %dma_start3A_114 = tpu.memref_slice %arg8[%dma_start3A_109, %dma_start3A_113] : memref<8x128xi32, #tpu.memory_space<vmem>> -> memref<1x128xi32, #tpu.memory_space<vmem>>
      %dma_start3A_115 = tpu.memref_squeeze %dma_start3A_114 : memref<1x128xi32, #tpu.memory_space<vmem>> -> memref<128xi32, #tpu.memory_space<vmem>>
      %dma_start3A_116 = arith.constant 0 : i32
      %dma_start3A_117 = arith.constant 0 : i32
      %dma_start3A_118 = tpu.memref_slice %arg5[%dma_start3A_116, %dma_start3A_117] : memref<100000x16xf32, #tpu.memory_space<hbm>> -> memref<100000x16xf32, #tpu.memory_space<hbm>>
      tpu.enqueue_indirect_dma source(%dma_start3A_118 : memref<100000x16xf32, #tpu.memory_space<hbm>>) target(%dma_start3A_112 : memref<128x16xf32, #tpu.memory_space<vmem>>) offsets(%dma_start3A_115 : memref<128xi32, #tpu.memory_space<vmem>>) semaphore(%arg14 : memref<!tpu.dma_semaphore, #tpu.memory_space<semaphore_mem>>)
      %dma_wait3A_119 = arith.constant 0 : i32
      %dma_wait3A_120 = arith.constant 0 : i32
      %dma_wait3A_121 = arith.constant 0 : i32
      %dma_wait3A_122 = tpu.memref_slice %arg11[%dma_wait3A_120, %dma_wait3A_121] : memref<1024x16xf32, #tpu.memory_space<vmem>> -> memref<128x16xf32, #tpu.memory_space<vmem>>
      %dma_wait3A_123 = arith.constant 0 : i32
      %dma_wait3A_124 = tpu.memref_slice %arg8[%dma_wait3A_119, %dma_wait3A_123] : memref<8x128xi32, #tpu.memory_space<vmem>> -> memref<1x128xi32, #tpu.memory_space<vmem>>
      %dma_wait3A_125 = tpu.memref_squeeze %dma_wait3A_124 : memref<1x128xi32, #tpu.memory_space<vmem>> -> memref<128xi32, #tpu.memory_space<vmem>>
      %dma_wait3A_126 = arith.constant 0 : i32
      %dma_wait3A_127 = arith.constant 0 : i32
      %dma_wait3A_128 = tpu.memref_slice %arg5[%dma_wait3A_126, %dma_wait3A_127] : memref<100000x16xf32, #tpu.memory_space<hbm>> -> memref<100000x16xf32, #tpu.memory_space<hbm>>
      tpu.wait_indirect_dma semaphore(%arg14 : memref<!tpu.dma_semaphore, #tpu.memory_space<semaphore_mem>>) src(%dma_wait3A_128 : memref<100000x16xf32, #tpu.memory_space<hbm>>) dst(%dma_wait3A_122 : memref<128x16xf32, #tpu.memory_space<vmem>>)
      %dma_wait3A_129 = arith.constant 1 : i32
      %dma_wait3A_130 = arith.constant 128 : i32
      %dma_wait3A_131 = arith.constant 0 : i32
      %dma_wait3A_132 = tpu.memref_slice %arg11[%dma_wait3A_130, %dma_wait3A_131] : memref<1024x16xf32, #tpu.memory_space<vmem>> -> memref<128x16xf32, #tpu.memory_space<vmem>>
      %dma_wait3A_133 = arith.constant 0 : i32
      %dma_wait3A_134 = tpu.memref_slice %arg8[%dma_wait3A_129, %dma_wait3A_133] : memref<8x128xi32, #tpu.memory_space<vmem>> -> memref<1x128xi32, #tpu.memory_space<vmem>>
      %dma_wait3A_135 = tpu.memref_squeeze %dma_wait3A_134 : memref<1x128xi32, #tpu.memory_space<vmem>> -> memref<128xi32, #tpu.memory_space<vmem>>
      %dma_wait3A_136 = arith.constant 0 : i32
      %dma_wait3A_137 = arith.constant 0 : i32
      %dma_wait3A_138 = tpu.memref_slice %arg5[%dma_wait3A_136, %dma_wait3A_137] : memref<100000x16xf32, #tpu.memory_space<hbm>> -> memref<100000x16xf32, #tpu.memory_space<hbm>>
      tpu.wait_indirect_dma semaphore(%arg14 : memref<!tpu.dma_semaphore, #tpu.memory_space<semaphore_mem>>) src(%dma_wait3A_138 : memref<100000x16xf32, #tpu.memory_space<hbm>>) dst(%dma_wait3A_132 : memref<128x16xf32, #tpu.memory_space<vmem>>)
      %dma_wait3A_139 = arith.constant 2 : i32
      %dma_wait3A_140 = arith.constant 256 : i32
      %dma_wait3A_141 = arith.constant 0 : i32
      %dma_wait3A_142 = tpu.memref_slice %arg11[%dma_wait3A_140, %dma_wait3A_141] : memref<1024x16xf32, #tpu.memory_space<vmem>> -> memref<128x16xf32, #tpu.memory_space<vmem>>
      %dma_wait3A_143 = arith.constant 0 : i32
      %dma_wait3A_144 = tpu.memref_slice %arg8[%dma_wait3A_139, %dma_wait3A_143] : memref<8x128xi32, #tpu.memory_space<vmem>> -> memref<1x128xi32, #tpu.memory_space<vmem>>
      %dma_wait3A_145 = tpu.memref_squeeze %dma_wait3A_144 : memref<1x128xi32, #tpu.memory_space<vmem>> -> memref<128xi32, #tpu.memory_space<vmem>>
      %dma_wait3A_146 = arith.constant 0 : i32
      %dma_wait3A_147 = arith.constant 0 : i32
      %dma_wait3A_148 = tpu.memref_slice %arg5[%dma_wait3A_146, %dma_wait3A_147] : memref<100000x16xf32, #tpu.memory_space<hbm>> -> memref<100000x16xf32, #tpu.memory_space<hbm>>
      tpu.wait_indirect_dma semaphore(%arg14 : memref<!tpu.dma_semaphore, #tpu.memory_space<semaphore_mem>>) src(%dma_wait3A_148 : memref<100000x16xf32, #tpu.memory_space<hbm>>) dst(%dma_wait3A_142 : memref<128x16xf32, #tpu.memory_space<vmem>>)
      %dma_wait3A_149 = arith.constant 3 : i32
      %dma_wait3A_150 = arith.constant 384 : i32
      %dma_wait3A_151 = arith.constant 0 : i32
      %dma_wait3A_152 = tpu.memref_slice %arg11[%dma_wait3A_150, %dma_wait3A_151] : memref<1024x16xf32, #tpu.memory_space<vmem>> -> memref<128x16xf32, #tpu.memory_space<vmem>>
      %dma_wait3A_153 = arith.constant 0 : i32
      %dma_wait3A_154 = tpu.memref_slice %arg8[%dma_wait3A_149, %dma_wait3A_153] : memref<8x128xi32, #tpu.memory_space<vmem>> -> memref<1x128xi32, #tpu.memory_space<vmem>>
      %dma_wait3A_155 = tpu.memref_squeeze %dma_wait3A_154 : memref<1x128xi32, #tpu.memory_space<vmem>> -> memref<128xi32, #tpu.memory_space<vmem>>
      %dma_wait3A_156 = arith.constant 0 : i32
      %dma_wait3A_157 = arith.constant 0 : i32
      %dma_wait3A_158 = tpu.memref_slice %arg5[%dma_wait3A_156, %dma_wait3A_157] : memref<100000x16xf32, #tpu.memory_space<hbm>> -> memref<100000x16xf32, #tpu.memory_space<hbm>>
      tpu.wait_indirect_dma semaphore(%arg14 : memref<!tpu.dma_semaphore, #tpu.memory_space<semaphore_mem>>) src(%dma_wait3A_158 : memref<100000x16xf32, #tpu.memory_space<hbm>>) dst(%dma_wait3A_152 : memref<128x16xf32, #tpu.memory_space<vmem>>)
      %dma_wait3A_159 = arith.constant 4 : i32
      %dma_wait3A_160 = arith.constant 512 : i32
      %dma_wait3A_161 = arith.constant 0 : i32
      %dma_wait3A_162 = tpu.memref_slice %arg11[%dma_wait3A_160, %dma_wait3A_161] : memref<1024x16xf32, #tpu.memory_space<vmem>> -> memref<128x16xf32, #tpu.memory_space<vmem>>
      %dma_wait3A_163 = arith.constant 0 : i32
      %dma_wait3A_164 = tpu.memref_slice %arg8[%dma_wait3A_159, %dma_wait3A_163] : memref<8x128xi32, #tpu.memory_space<vmem>> -> memref<1x128xi32, #tpu.memory_space<vmem>>
      %dma_wait3A_165 = tpu.memref_squeeze %dma_wait3A_164 : memref<1x128xi32, #tpu.memory_space<vmem>> -> memref<128xi32, #tpu.memory_space<vmem>>
      %dma_wait3A_166 = arith.constant 0 : i32
      %dma_wait3A_167 = arith.constant 0 : i32
      %dma_wait3A_168 = tpu.memref_slice %arg5[%dma_wait3A_166, %dma_wait3A_167] : memref<100000x16xf32, #tpu.memory_space<hbm>> -> memref<100000x16xf32, #tpu.memory_space<hbm>>
      tpu.wait_indirect_dma semaphore(%arg14 : memref<!tpu.dma_semaphore, #tpu.memory_space<semaphore_mem>>) src(%dma_wait3A_168 : memref<100000x16xf32, #tpu.memory_space<hbm>>) dst(%dma_wait3A_162 : memref<128x16xf32, #tpu.memory_space<vmem>>)
      %dma_wait3A_169 = arith.constant 5 : i32
      %dma_wait3A_170 = arith.constant 640 : i32
      %dma_wait3A_171 = arith.constant 0 : i32
      %dma_wait3A_172 = tpu.memref_slice %arg11[%dma_wait3A_170, %dma_wait3A_171] : memref<1024x16xf32, #tpu.memory_space<vmem>> -> memref<128x16xf32, #tpu.memory_space<vmem>>
      %dma_wait3A_173 = arith.constant 0 : i32
      %dma_wait3A_174 = tpu.memref_slice %arg8[%dma_wait3A_169, %dma_wait3A_173] : memref<8x128xi32, #tpu.memory_space<vmem>> -> memref<1x128xi32, #tpu.memory_space<vmem>>
      %dma_wait3A_175 = tpu.memref_squeeze %dma_wait3A_174 : memref<1x128xi32, #tpu.memory_space<vmem>> -> memref<128xi32, #tpu.memory_space<vmem>>
      %dma_wait3A_176 = arith.constant 0 : i32
      %dma_wait3A_177 = arith.constant 0 : i32
      %dma_wait3A_178 = tpu.memref_slice %arg5[%dma_wait3A_176, %dma_wait3A_177] : memref<100000x16xf32, #tpu.memory_space<hbm>> -> memref<100000x16xf32, #tpu.memory_space<hbm>>
      tpu.wait_indirect_dma semaphore(%arg14 : memref<!tpu.dma_semaphore, #tpu.memory_space<semaphore_mem>>) src(%dma_wait3A_178 : memref<100000x16xf32, #tpu.memory_space<hbm>>) dst(%dma_wait3A_172 : memref<128x16xf32, #tpu.memory_space<vmem>>)
      %dma_wait3A_179 = arith.constant 6 : i32
      %dma_wait3A_180 = arith.constant 768 : i32
      %dma_wait3A_181 = arith.constant 0 : i32
      %dma_wait3A_182 = tpu.memref_slice %arg11[%dma_wait3A_180, %dma_wait3A_181] : memref<1024x16xf32, #tpu.memory_space<vmem>> -> memref<128x16xf32, #tpu.memory_space<vmem>>
      %dma_wait3A_183 = arith.constant 0 : i32
      %dma_wait3A_184 = tpu.memref_slice %arg8[%dma_wait3A_179, %dma_wait3A_183] : memref<8x128xi32, #tpu.memory_space<vmem>> -> memref<1x128xi32, #tpu.memory_space<vmem>>
      %dma_wait3A_185 = tpu.memref_squeeze %dma_wait3A_184 : memref<1x128xi32, #tpu.memory_space<vmem>> -> memref<128xi32, #tpu.memory_space<vmem>>
      %dma_wait3A_186 = arith.constant 0 : i32
      %dma_wait3A_187 = arith.constant 0 : i32
      %dma_wait3A_188 = tpu.memref_slice %arg5[%dma_wait3A_186, %dma_wait3A_187] : memref<100000x16xf32, #tpu.memory_space<hbm>> -> memref<100000x16xf32, #tpu.memory_space<hbm>>
      tpu.wait_indirect_dma semaphore(%arg14 : memref<!tpu.dma_semaphore, #tpu.memory_space<semaphore_mem>>) src(%dma_wait3A_188 : memref<100000x16xf32, #tpu.memory_space<hbm>>) dst(%dma_wait3A_182 : memref<128x16xf32, #tpu.memory_space<vmem>>)
      %dma_wait3A_189 = arith.constant 7 : i32
      %dma_wait3A_190 = arith.constant 896 : i32
      %dma_wait3A_191 = arith.constant 0 : i32
      %dma_wait3A_192 = tpu.memref_slice %arg11[%dma_wait3A_190, %dma_wait3A_191] : memref<1024x16xf32, #tpu.memory_space<vmem>> -> memref<128x16xf32, #tpu.memory_space<vmem>>
      %dma_wait3A_193 = arith.constant 0 : i32
      %dma_wait3A_194 = tpu.memref_slice %arg8[%dma_wait3A_189, %dma_wait3A_193] : memref<8x128xi32, #tpu.memory_space<vmem>> -> memref<1x128xi32, #tpu.memory_space<vmem>>
      %dma_wait3A_195 = tpu.memref_squeeze %dma_wait3A_194 : memref<1x128xi32, #tpu.memory_space<vmem>> -> memref<128xi32, #tpu.memory_space<vmem>>
      %dma_wait3A_196 = arith.constant 0 : i32
      %dma_wait3A_197 = arith.constant 0 : i32
      %dma_wait3A_198 = tpu.memref_slice %arg5[%dma_wait3A_196, %dma_wait3A_197] : memref<100000x16xf32, #tpu.memory_space<hbm>> -> memref<100000x16xf32, #tpu.memory_space<hbm>>
      tpu.wait_indirect_dma semaphore(%arg14 : memref<!tpu.dma_semaphore, #tpu.memory_space<semaphore_mem>>) src(%dma_wait3A_198 : memref<100000x16xf32, #tpu.memory_space<hbm>>) dst(%dma_wait3A_192 : memref<128x16xf32, #tpu.memory_space<vmem>>)
      %iota3A = tpu.iota {dimensions = array<i32: 0>} : vector<16xi32>
      %scan3A_199 = arith.constant 0 : i32
      %scan3A_200 = arith.constant 0 : i32
      %scan3A_201 = arith.constant 1024 : i32
      %scan3A_202 = arith.addi %scan3A_200, %scan3A_201 : i32
      %scan3A_203 = arith.constant 4 : i32
      scf.for %scan3A_212 = %scan3A_200 to %scan3A_202 step %scan3A_203  : i32 {
        %broadcast_in_dim3A = vector.broadcast %scan3A_212 : i32 to vector<16xi32>
        %gather3A = tpu.vector_load_idx %arg10[%broadcast_in_dim3A] : memref<1024xf32, #tpu.memory_space<vmem>>[vector<16xi32>], vector<16xf32>,
        %gather3A_213 = tpu.vector_load_idx %arg11[%broadcast_in_dim3A, %iota3A] : memref<1024x16xf32, #tpu.memory_space<vmem>>[vector<16xi32>, vector<16xi32>], vector<16xf32>,
        %mul3A_214 = arith.mulf %gather3A_213, %gather3A : vector<16xf32>
        tpu.vector_store_idx %arg11[%broadcast_in_dim3A, %iota3A], %mul3A_214 : memref<1024x16xf32, #tpu.memory_space<vmem>>[vector<16xi32>, vector<16xi32>], vector<16xf32>,
        %scan3A_215 = arith.constant 1 : i32
        %scan3A_216 = arith.addi %scan3A_212, %scan3A_215 : i32
        %broadcast_in_dim3A_217 = vector.broadcast %scan3A_216 : i32 to vector<16xi32>
        %gather3A_218 = tpu.vector_load_idx %arg10[%broadcast_in_dim3A_217] : memref<1024xf32, #tpu.memory_space<vmem>>[vector<16xi32>], vector<16xf32>,
        %gather3A_219 = tpu.vector_load_idx %arg11[%broadcast_in_dim3A_217, %iota3A] : memref<1024x16xf32, #tpu.memory_space<vmem>>[vector<16xi32>, vector<16xi32>], vector<16xf32>,
        %mul3A_220 = arith.mulf %gather3A_219, %gather3A_218 : vector<16xf32>
        tpu.vector_store_idx %arg11[%broadcast_in_dim3A_217, %iota3A], %mul3A_220 : memref<1024x16xf32, #tpu.memory_space<vmem>>[vector<16xi32>, vector<16xi32>], vector<16xf32>,
        %scan3A_221 = arith.constant 2 : i32
        %scan3A_222 = arith.addi %scan3A_212, %scan3A_221 : i32
        %broadcast_in_dim3A_223 = vector.broadcast %scan3A_222 : i32 to vector<16xi32>
        %gather3A_224 = tpu.vector_load_idx %arg10[%broadcast_in_dim3A_223] : memref<1024xf32, #tpu.memory_space<vmem>>[vector<16xi32>], vector<16xf32>,
        %gather3A_225 = tpu.vector_load_idx %arg11[%broadcast_in_dim3A_223, %iota3A] : memref<1024x16xf32, #tpu.memory_space<vmem>>[vector<16xi32>, vector<16xi32>], vector<16xf32>,
        %mul3A_226 = arith.mulf %gather3A_225, %gather3A_224 : vector<16xf32>
        tpu.vector_store_idx %arg11[%broadcast_in_dim3A_223, %iota3A], %mul3A_226 : memref<1024x16xf32, #tpu.memory_space<vmem>>[vector<16xi32>, vector<16xi32>], vector<16xf32>,
        %scan3A_227 = arith.constant 3 : i32
        %scan3A_228 = arith.addi %scan3A_212, %scan3A_227 : i32
        %broadcast_in_dim3A_229 = vector.broadcast %scan3A_228 : i32 to vector<16xi32>
        %gather3A_230 = tpu.vector_load_idx %arg10[%broadcast_in_dim3A_229] : memref<1024xf32, #tpu.memory_space<vmem>>[vector<16xi32>], vector<16xf32>,
        %gather3A_231 = tpu.vector_load_idx %arg11[%broadcast_in_dim3A_229, %iota3A] : memref<1024x16xf32, #tpu.memory_space<vmem>>[vector<16xi32>, vector<16xi32>], vector<16xf32>,
        %mul3A_232 = arith.mulf %gather3A_231, %gather3A_230 : vector<16xf32>
        tpu.vector_store_idx %arg11[%broadcast_in_dim3A_229, %iota3A], %mul3A_232 : memref<1024x16xf32, #tpu.memory_space<vmem>>[vector<16xi32>, vector<16xi32>], vector<16xf32>,
      }
      %scan3A_204 = arith.constant 1024 : i32
      %run_scoped3A = arith.constant 0 : i32
      "tpu.region"() ({
        %run_scoped3A_212 = tpu.sem_alloc : memref<!tpu.dma_semaphore, #tpu.memory_space<semaphore_mem>>
        %dma_start3A_213 = arith.constant 0 : i32
        %dma_start3A_214 = arith.constant 0 : i32
        %dma_start3A_215 = tpu.memref_slice %arg11[%dma_start3A_213, %dma_start3A_214] : memref<1024x16xf32, #tpu.memory_space<vmem>> -> memref<128x16xf32, #tpu.memory_space<vmem>>
        %dma_start3A_216 = arith.constant 0 : i32
        %dma_start3A_217 = tpu.memref_slice %arg9[%run_scoped3A, %dma_start3A_216] : memref<8x128xi32, #tpu.memory_space<vmem>> -> memref<1x128xi32, #tpu.memory_space<vmem>>
        %dma_start3A_218 = tpu.memref_squeeze %dma_start3A_217 : memref<1x128xi32, #tpu.memory_space<vmem>> -> memref<128xi32, #tpu.memory_space<vmem>>
        %dma_start3A_219 = arith.constant 0 : i32
        %dma_start3A_220 = arith.constant 0 : i32
        %dma_start3A_221 = tpu.memref_slice %arg12[%dma_start3A_219, %dma_start3A_220] : memref<100096x16xf32, #tpu.memory_space<vmem_shared>> -> memref<100096x16xf32, #tpu.memory_space<vmem_shared>>
        tpu.enqueue_indirect_dma source(%dma_start3A_215 : memref<128x16xf32, #tpu.memory_space<vmem>>) target(%dma_start3A_221 : memref<100096x16xf32, #tpu.memory_space<vmem_shared>>) offsets(%dma_start3A_218 : memref<128xi32, #tpu.memory_space<vmem>>) semaphore(%run_scoped3A_212 : memref<!tpu.dma_semaphore, #tpu.memory_space<semaphore_mem>>) {add = true}
        %dma_wait3A_222 = arith.constant 0 : i32
        %dma_wait3A_223 = arith.constant 0 : i32
        %dma_wait3A_224 = tpu.memref_slice %arg11[%dma_wait3A_222, %dma_wait3A_223] : memref<1024x16xf32, #tpu.memory_space<vmem>> -> memref<128x16xf32, #tpu.memory_space<vmem>>
        %dma_wait3A_225 = arith.constant 0 : i32
        %dma_wait3A_226 = tpu.memref_slice %arg9[%run_scoped3A, %dma_wait3A_225] : memref<8x128xi32, #tpu.memory_space<vmem>> -> memref<1x128xi32, #tpu.memory_space<vmem>>
        %dma_wait3A_227 = tpu.memref_squeeze %dma_wait3A_226 : memref<1x128xi32, #tpu.memory_space<vmem>> -> memref<128xi32, #tpu.memory_space<vmem>>
        %dma_wait3A_228 = arith.constant 0 : i32
        %dma_wait3A_229 = arith.constant 0 : i32
        %dma_wait3A_230 = tpu.memref_slice %arg12[%dma_wait3A_228, %dma_wait3A_229] : memref<100096x16xf32, #tpu.memory_space<vmem_shared>> -> memref<100096x16xf32, #tpu.memory_space<vmem_shared>>
        tpu.wait_indirect_dma semaphore(%run_scoped3A_212 : memref<!tpu.dma_semaphore, #tpu.memory_space<semaphore_mem>>) src(%dma_wait3A_224 : memref<128x16xf32, #tpu.memory_space<vmem>>) dst(%dma_wait3A_230 : memref<100096x16xf32, #tpu.memory_space<vmem_shared>>)
        tpu.yield
      }) : () -> ()
      %run_scoped3A_205 = arith.constant 1 : i32
      "tpu.region"() ({
        %run_scoped3A_212 = tpu.sem_alloc : memref<!tpu.dma_semaphore, #tpu.memory_space<semaphore_mem>>
        %dma_start3A_213 = arith.constant 128 : i32
        %dma_start3A_214 = arith.constant 0 : i32
        %dma_start3A_215 = tpu.memref_slice %arg11[%dma_start3A_213, %dma_start3A_214] : memref<1024x16xf32, #tpu.memory_space<vmem>> -> memref<128x16xf32, #tpu.memory_space<vmem>>
        %dma_start3A_216 = arith.constant 0 : i32
        %dma_start3A_217 = tpu.memref_slice %arg9[%run_scoped3A_205, %dma_start3A_216] : memref<8x128xi32, #tpu.memory_space<vmem>> -> memref<1x128xi32, #tpu.memory_space<vmem>>
        %dma_start3A_218 = tpu.memref_squeeze %dma_start3A_217 : memref<1x128xi32, #tpu.memory_space<vmem>> -> memref<128xi32, #tpu.memory_space<vmem>>
        %dma_start3A_219 = arith.constant 0 : i32
        %dma_start3A_220 = arith.constant 0 : i32
        %dma_start3A_221 = tpu.memref_slice %arg12[%dma_start3A_219, %dma_start3A_220] : memref<100096x16xf32, #tpu.memory_space<vmem_shared>> -> memref<100096x16xf32, #tpu.memory_space<vmem_shared>>
        tpu.enqueue_indirect_dma source(%dma_start3A_215 : memref<128x16xf32, #tpu.memory_space<vmem>>) target(%dma_start3A_221 : memref<100096x16xf32, #tpu.memory_space<vmem_shared>>) offsets(%dma_start3A_218 : memref<128xi32, #tpu.memory_space<vmem>>) semaphore(%run_scoped3A_212 : memref<!tpu.dma_semaphore, #tpu.memory_space<semaphore_mem>>) {add = true}
        %dma_wait3A_222 = arith.constant 128 : i32
        %dma_wait3A_223 = arith.constant 0 : i32
        %dma_wait3A_224 = tpu.memref_slice %arg11[%dma_wait3A_222, %dma_wait3A_223] : memref<1024x16xf32, #tpu.memory_space<vmem>> -> memref<128x16xf32, #tpu.memory_space<vmem>>
        %dma_wait3A_225 = arith.constant 0 : i32
        %dma_wait3A_226 = tpu.memref_slice %arg9[%run_scoped3A_205, %dma_wait3A_225] : memref<8x128xi32, #tpu.memory_space<vmem>> -> memref<1x128xi32, #tpu.memory_space<vmem>>
        %dma_wait3A_227 = tpu.memref_squeeze %dma_wait3A_226 : memref<1x128xi32, #tpu.memory_space<vmem>> -> memref<128xi32, #tpu.memory_space<vmem>>
        %dma_wait3A_228 = arith.constant 0 : i32
        %dma_wait3A_229 = arith.constant 0 : i32
        %dma_wait3A_230 = tpu.memref_slice %arg12[%dma_wait3A_228, %dma_wait3A_229] : memref<100096x16xf32, #tpu.memory_space<vmem_shared>> -> memref<100096x16xf32, #tpu.memory_space<vmem_shared>>
        tpu.wait_indirect_dma semaphore(%run_scoped3A_212 : memref<!tpu.dma_semaphore, #tpu.memory_space<semaphore_mem>>) src(%dma_wait3A_224 : memref<128x16xf32, #tpu.memory_space<vmem>>) dst(%dma_wait3A_230 : memref<100096x16xf32, #tpu.memory_space<vmem_shared>>)
        tpu.yield
      }) : () -> ()
      %run_scoped3A_206 = arith.constant 2 : i32
      "tpu.region"() ({
        %run_scoped3A_212 = tpu.sem_alloc : memref<!tpu.dma_semaphore, #tpu.memory_space<semaphore_mem>>
        %dma_start3A_213 = arith.constant 256 : i32
        %dma_start3A_214 = arith.constant 0 : i32
        %dma_start3A_215 = tpu.memref_slice %arg11[%dma_start3A_213, %dma_start3A_214] : memref<1024x16xf32, #tpu.memory_space<vmem>> -> memref<128x16xf32, #tpu.memory_space<vmem>>
        %dma_start3A_216 = arith.constant 0 : i32
        %dma_start3A_217 = tpu.memref_slice %arg9[%run_scoped3A_206, %dma_start3A_216] : memref<8x128xi32, #tpu.memory_space<vmem>> -> memref<1x128xi32, #tpu.memory_space<vmem>>
        %dma_start3A_218 = tpu.memref_squeeze %dma_start3A_217 : memref<1x128xi32, #tpu.memory_space<vmem>> -> memref<128xi32, #tpu.memory_space<vmem>>
        %dma_start3A_219 = arith.constant 0 : i32
        %dma_start3A_220 = arith.constant 0 : i32
        %dma_start3A_221 = tpu.memref_slice %arg12[%dma_start3A_219, %dma_start3A_220] : memref<100096x16xf32, #tpu.memory_space<vmem_shared>> -> memref<100096x16xf32, #tpu.memory_space<vmem_shared>>
        tpu.enqueue_indirect_dma source(%dma_start3A_215 : memref<128x16xf32, #tpu.memory_space<vmem>>) target(%dma_start3A_221 : memref<100096x16xf32, #tpu.memory_space<vmem_shared>>) offsets(%dma_start3A_218 : memref<128xi32, #tpu.memory_space<vmem>>) semaphore(%run_scoped3A_212 : memref<!tpu.dma_semaphore, #tpu.memory_space<semaphore_mem>>) {add = true}
        %dma_wait3A_222 = arith.constant 256 : i32
        %dma_wait3A_223 = arith.constant 0 : i32
        %dma_wait3A_224 = tpu.memref_slice %arg11[%dma_wait3A_222, %dma_wait3A_223] : memref<1024x16xf32, #tpu.memory_space<vmem>> -> memref<128x16xf32, #tpu.memory_space<vmem>>
        %dma_wait3A_225 = arith.constant 0 : i32
        %dma_wait3A_226 = tpu.memref_slice %arg9[%run_scoped3A_206, %dma_wait3A_225] : memref<8x128xi32, #tpu.memory_space<vmem>> -> memref<1x128xi32, #tpu.memory_space<vmem>>
        %dma_wait3A_227 = tpu.memref_squeeze %dma_wait3A_226 : memref<1x128xi32, #tpu.memory_space<vmem>> -> memref<128xi32, #tpu.memory_space<vmem>>
        %dma_wait3A_228 = arith.constant 0 : i32
        %dma_wait3A_229 = arith.constant 0 : i32
        %dma_wait3A_230 = tpu.memref_slice %arg12[%dma_wait3A_228, %dma_wait3A_229] : memref<100096x16xf32, #tpu.memory_space<vmem_shared>> -> memref<100096x16xf32, #tpu.memory_space<vmem_shared>>
        tpu.wait_indirect_dma semaphore(%run_scoped3A_212 : memref<!tpu.dma_semaphore, #tpu.memory_space<semaphore_mem>>) src(%dma_wait3A_224 : memref<128x16xf32, #tpu.memory_space<vmem>>) dst(%dma_wait3A_230 : memref<100096x16xf32, #tpu.memory_space<vmem_shared>>)
        tpu.yield
      }) : () -> ()
      %run_scoped3A_207 = arith.constant 3 : i32
      "tpu.region"() ({
        %run_scoped3A_212 = tpu.sem_alloc : memref<!tpu.dma_semaphore, #tpu.memory_space<semaphore_mem>>
        %dma_start3A_213 = arith.constant 384 : i32
        %dma_start3A_214 = arith.constant 0 : i32
        %dma_start3A_215 = tpu.memref_slice %arg11[%dma_start3A_213, %dma_start3A_214] : memref<1024x16xf32, #tpu.memory_space<vmem>> -> memref<128x16xf32, #tpu.memory_space<vmem>>
        %dma_start3A_216 = arith.constant 0 : i32
        %dma_start3A_217 = tpu.memref_slice %arg9[%run_scoped3A_207, %dma_start3A_216] : memref<8x128xi32, #tpu.memory_space<vmem>> -> memref<1x128xi32, #tpu.memory_space<vmem>>
        %dma_start3A_218 = tpu.memref_squeeze %dma_start3A_217 : memref<1x128xi32, #tpu.memory_space<vmem>> -> memref<128xi32, #tpu.memory_space<vmem>>
        %dma_start3A_219 = arith.constant 0 : i32
        %dma_start3A_220 = arith.constant 0 : i32
        %dma_start3A_221 = tpu.memref_slice %arg12[%dma_start3A_219, %dma_start3A_220] : memref<100096x16xf32, #tpu.memory_space<vmem_shared>> -> memref<100096x16xf32, #tpu.memory_space<vmem_shared>>
        tpu.enqueue_indirect_dma source(%dma_start3A_215 : memref<128x16xf32, #tpu.memory_space<vmem>>) target(%dma_start3A_221 : memref<100096x16xf32, #tpu.memory_space<vmem_shared>>) offsets(%dma_start3A_218 : memref<128xi32, #tpu.memory_space<vmem>>) semaphore(%run_scoped3A_212 : memref<!tpu.dma_semaphore, #tpu.memory_space<semaphore_mem>>) {add = true}
        %dma_wait3A_222 = arith.constant 384 : i32
        %dma_wait3A_223 = arith.constant 0 : i32
        %dma_wait3A_224 = tpu.memref_slice %arg11[%dma_wait3A_222, %dma_wait3A_223] : memref<1024x16xf32, #tpu.memory_space<vmem>> -> memref<128x16xf32, #tpu.memory_space<vmem>>
        %dma_wait3A_225 = arith.constant 0 : i32
        %dma_wait3A_226 = tpu.memref_slice %arg9[%run_scoped3A_207, %dma_wait3A_225] : memref<8x128xi32, #tpu.memory_space<vmem>> -> memref<1x128xi32, #tpu.memory_space<vmem>>
        %dma_wait3A_227 = tpu.memref_squeeze %dma_wait3A_226 : memref<1x128xi32, #tpu.memory_space<vmem>> -> memref<128xi32, #tpu.memory_space<vmem>>
        %dma_wait3A_228 = arith.constant 0 : i32
        %dma_wait3A_229 = arith.constant 0 : i32
        %dma_wait3A_230 = tpu.memref_slice %arg12[%dma_wait3A_228, %dma_wait3A_229] : memref<100096x16xf32, #tpu.memory_space<vmem_shared>> -> memref<100096x16xf32, #tpu.memory_space<vmem_shared>>
        tpu.wait_indirect_dma semaphore(%run_scoped3A_212 : memref<!tpu.dma_semaphore, #tpu.memory_space<semaphore_mem>>) src(%dma_wait3A_224 : memref<128x16xf32, #tpu.memory_space<vmem>>) dst(%dma_wait3A_230 : memref<100096x16xf32, #tpu.memory_space<vmem_shared>>)
        tpu.yield
      }) : () -> ()
      %run_scoped3A_208 = arith.constant 4 : i32
      "tpu.region"() ({
        %run_scoped3A_212 = tpu.sem_alloc : memref<!tpu.dma_semaphore, #tpu.memory_space<semaphore_mem>>
        %dma_start3A_213 = arith.constant 512 : i32
        %dma_start3A_214 = arith.constant 0 : i32
        %dma_start3A_215 = tpu.memref_slice %arg11[%dma_start3A_213, %dma_start3A_214] : memref<1024x16xf32, #tpu.memory_space<vmem>> -> memref<128x16xf32, #tpu.memory_space<vmem>>
        %dma_start3A_216 = arith.constant 0 : i32
        %dma_start3A_217 = tpu.memref_slice %arg9[%run_scoped3A_208, %dma_start3A_216] : memref<8x128xi32, #tpu.memory_space<vmem>> -> memref<1x128xi32, #tpu.memory_space<vmem>>
        %dma_start3A_218 = tpu.memref_squeeze %dma_start3A_217 : memref<1x128xi32, #tpu.memory_space<vmem>> -> memref<128xi32, #tpu.memory_space<vmem>>
        %dma_start3A_219 = arith.constant 0 : i32
        %dma_start3A_220 = arith.constant 0 : i32
        %dma_start3A_221 = tpu.memref_slice %arg12[%dma_start3A_219, %dma_start3A_220] : memref<100096x16xf32, #tpu.memory_space<vmem_shared>> -> memref<100096x16xf32, #tpu.memory_space<vmem_shared>>
        tpu.enqueue_indirect_dma source(%dma_start3A_215 : memref<128x16xf32, #tpu.memory_space<vmem>>) target(%dma_start3A_221 : memref<100096x16xf32, #tpu.memory_space<vmem_shared>>) offsets(%dma_start3A_218 : memref<128xi32, #tpu.memory_space<vmem>>) semaphore(%run_scoped3A_212 : memref<!tpu.dma_semaphore, #tpu.memory_space<semaphore_mem>>) {add = true}
        %dma_wait3A_222 = arith.constant 512 : i32
        %dma_wait3A_223 = arith.constant 0 : i32
        %dma_wait3A_224 = tpu.memref_slice %arg11[%dma_wait3A_222, %dma_wait3A_223] : memref<1024x16xf32, #tpu.memory_space<vmem>> -> memref<128x16xf32, #tpu.memory_space<vmem>>
        %dma_wait3A_225 = arith.constant 0 : i32
        %dma_wait3A_226 = tpu.memref_slice %arg9[%run_scoped3A_208, %dma_wait3A_225] : memref<8x128xi32, #tpu.memory_space<vmem>> -> memref<1x128xi32, #tpu.memory_space<vmem>>
        %dma_wait3A_227 = tpu.memref_squeeze %dma_wait3A_226 : memref<1x128xi32, #tpu.memory_space<vmem>> -> memref<128xi32, #tpu.memory_space<vmem>>
        %dma_wait3A_228 = arith.constant 0 : i32
        %dma_wait3A_229 = arith.constant 0 : i32
        %dma_wait3A_230 = tpu.memref_slice %arg12[%dma_wait3A_228, %dma_wait3A_229] : memref<100096x16xf32, #tpu.memory_space<vmem_shared>> -> memref<100096x16xf32, #tpu.memory_space<vmem_shared>>
        tpu.wait_indirect_dma semaphore(%run_scoped3A_212 : memref<!tpu.dma_semaphore, #tpu.memory_space<semaphore_mem>>) src(%dma_wait3A_224 : memref<128x16xf32, #tpu.memory_space<vmem>>) dst(%dma_wait3A_230 : memref<100096x16xf32, #tpu.memory_space<vmem_shared>>)
        tpu.yield
      }) : () -> ()
      %run_scoped3A_209 = arith.constant 5 : i32
      "tpu.region"() ({
        %run_scoped3A_212 = tpu.sem_alloc : memref<!tpu.dma_semaphore, #tpu.memory_space<semaphore_mem>>
        %dma_start3A_213 = arith.constant 640 : i32
        %dma_start3A_214 = arith.constant 0 : i32
        %dma_start3A_215 = tpu.memref_slice %arg11[%dma_start3A_213, %dma_start3A_214] : memref<1024x16xf32, #tpu.memory_space<vmem>> -> memref<128x16xf32, #tpu.memory_space<vmem>>
        %dma_start3A_216 = arith.constant 0 : i32
        %dma_start3A_217 = tpu.memref_slice %arg9[%run_scoped3A_209, %dma_start3A_216] : memref<8x128xi32, #tpu.memory_space<vmem>> -> memref<1x128xi32, #tpu.memory_space<vmem>>
        %dma_start3A_218 = tpu.memref_squeeze %dma_start3A_217 : memref<1x128xi32, #tpu.memory_space<vmem>> -> memref<128xi32, #tpu.memory_space<vmem>>
        %dma_start3A_219 = arith.constant 0 : i32
        %dma_start3A_220 = arith.constant 0 : i32
        %dma_start3A_221 = tpu.memref_slice %arg12[%dma_start3A_219, %dma_start3A_220] : memref<100096x16xf32, #tpu.memory_space<vmem_shared>> -> memref<100096x16xf32, #tpu.memory_space<vmem_shared>>
        tpu.enqueue_indirect_dma source(%dma_start3A_215 : memref<128x16xf32, #tpu.memory_space<vmem>>) target(%dma_start3A_221 : memref<100096x16xf32, #tpu.memory_space<vmem_shared>>) offsets(%dma_start3A_218 : memref<128xi32, #tpu.memory_space<vmem>>) semaphore(%run_scoped3A_212 : memref<!tpu.dma_semaphore, #tpu.memory_space<semaphore_mem>>) {add = true}
        %dma_wait3A_222 = arith.constant 640 : i32
        %dma_wait3A_223 = arith.constant 0 : i32
        %dma_wait3A_224 = tpu.memref_slice %arg11[%dma_wait3A_222, %dma_wait3A_223] : memref<1024x16xf32, #tpu.memory_space<vmem>> -> memref<128x16xf32, #tpu.memory_space<vmem>>
        %dma_wait3A_225 = arith.constant 0 : i32
        %dma_wait3A_226 = tpu.memref_slice %arg9[%run_scoped3A_209, %dma_wait3A_225] : memref<8x128xi32, #tpu.memory_space<vmem>> -> memref<1x128xi32, #tpu.memory_space<vmem>>
        %dma_wait3A_227 = tpu.memref_squeeze %dma_wait3A_226 : memref<1x128xi32, #tpu.memory_space<vmem>> -> memref<128xi32, #tpu.memory_space<vmem>>
        %dma_wait3A_228 = arith.constant 0 : i32
        %dma_wait3A_229 = arith.constant 0 : i32
        %dma_wait3A_230 = tpu.memref_slice %arg12[%dma_wait3A_228, %dma_wait3A_229] : memref<100096x16xf32, #tpu.memory_space<vmem_shared>> -> memref<100096x16xf32, #tpu.memory_space<vmem_shared>>
        tpu.wait_indirect_dma semaphore(%run_scoped3A_212 : memref<!tpu.dma_semaphore, #tpu.memory_space<semaphore_mem>>) src(%dma_wait3A_224 : memref<128x16xf32, #tpu.memory_space<vmem>>) dst(%dma_wait3A_230 : memref<100096x16xf32, #tpu.memory_space<vmem_shared>>)
        tpu.yield
      }) : () -> ()
      %run_scoped3A_210 = arith.constant 6 : i32
      "tpu.region"() ({
        %run_scoped3A_212 = tpu.sem_alloc : memref<!tpu.dma_semaphore, #tpu.memory_space<semaphore_mem>>
        %dma_start3A_213 = arith.constant 768 : i32
        %dma_start3A_214 = arith.constant 0 : i32
        %dma_start3A_215 = tpu.memref_slice %arg11[%dma_start3A_213, %dma_start3A_214] : memref<1024x16xf32, #tpu.memory_space<vmem>> -> memref<128x16xf32, #tpu.memory_space<vmem>>
        %dma_start3A_216 = arith.constant 0 : i32
        %dma_start3A_217 = tpu.memref_slice %arg9[%run_scoped3A_210, %dma_start3A_216] : memref<8x128xi32, #tpu.memory_space<vmem>> -> memref<1x128xi32, #tpu.memory_space<vmem>>
        %dma_start3A_218 = tpu.memref_squeeze %dma_start3A_217 : memref<1x128xi32, #tpu.memory_space<vmem>> -> memref<128xi32, #tpu.memory_space<vmem>>
        %dma_start3A_219 = arith.constant 0 : i32
        %dma_start3A_220 = arith.constant 0 : i32
        %dma_start3A_221 = tpu.memref_slice %arg12[%dma_start3A_219, %dma_start3A_220] : memref<100096x16xf32, #tpu.memory_space<vmem_shared>> -> memref<100096x16xf32, #tpu.memory_space<vmem_shared>>
        tpu.enqueue_indirect_dma source(%dma_start3A_215 : memref<128x16xf32, #tpu.memory_space<vmem>>) target(%dma_start3A_221 : memref<100096x16xf32, #tpu.memory_space<vmem_shared>>) offsets(%dma_start3A_218 : memref<128xi32, #tpu.memory_space<vmem>>) semaphore(%run_scoped3A_212 : memref<!tpu.dma_semaphore, #tpu.memory_space<semaphore_mem>>) {add = true}
        %dma_wait3A_222 = arith.constant 768 : i32
        %dma_wait3A_223 = arith.constant 0 : i32
        %dma_wait3A_224 = tpu.memref_slice %arg11[%dma_wait3A_222, %dma_wait3A_223] : memref<1024x16xf32, #tpu.memory_space<vmem>> -> memref<128x16xf32, #tpu.memory_space<vmem>>
        %dma_wait3A_225 = arith.constant 0 : i32
        %dma_wait3A_226 = tpu.memref_slice %arg9[%run_scoped3A_210, %dma_wait3A_225] : memref<8x128xi32, #tpu.memory_space<vmem>> -> memref<1x128xi32, #tpu.memory_space<vmem>>
        %dma_wait3A_227 = tpu.memref_squeeze %dma_wait3A_226 : memref<1x128xi32, #tpu.memory_space<vmem>> -> memref<128xi32, #tpu.memory_space<vmem>>
        %dma_wait3A_228 = arith.constant 0 : i32
        %dma_wait3A_229 = arith.constant 0 : i32
        %dma_wait3A_230 = tpu.memref_slice %arg12[%dma_wait3A_228, %dma_wait3A_229] : memref<100096x16xf32, #tpu.memory_space<vmem_shared>> -> memref<100096x16xf32, #tpu.memory_space<vmem_shared>>
        tpu.wait_indirect_dma semaphore(%run_scoped3A_212 : memref<!tpu.dma_semaphore, #tpu.memory_space<semaphore_mem>>) src(%dma_wait3A_224 : memref<128x16xf32, #tpu.memory_space<vmem>>) dst(%dma_wait3A_230 : memref<100096x16xf32, #tpu.memory_space<vmem_shared>>)
        tpu.yield
      }) : () -> ()
      %run_scoped3A_211 = arith.constant 7 : i32
      "tpu.region"() ({
        %run_scoped3A_212 = tpu.sem_alloc : memref<!tpu.dma_semaphore, #tpu.memory_space<semaphore_mem>>
        %dma_start3A_213 = arith.constant 896 : i32
        %dma_start3A_214 = arith.constant 0 : i32
        %dma_start3A_215 = tpu.memref_slice %arg11[%dma_start3A_213, %dma_start3A_214] : memref<1024x16xf32, #tpu.memory_space<vmem>> -> memref<128x16xf32, #tpu.memory_space<vmem>>
        %dma_start3A_216 = arith.constant 0 : i32
        %dma_start3A_217 = tpu.memref_slice %arg9[%run_scoped3A_211, %dma_start3A_216] : memref<8x128xi32, #tpu.memory_space<vmem>> -> memref<1x128xi32, #tpu.memory_space<vmem>>
        %dma_start3A_218 = tpu.memref_squeeze %dma_start3A_217 : memref<1x128xi32, #tpu.memory_space<vmem>> -> memref<128xi32, #tpu.memory_space<vmem>>
        %dma_start3A_219 = arith.constant 0 : i32
        %dma_start3A_220 = arith.constant 0 : i32
        %dma_start3A_221 = tpu.memref_slice %arg12[%dma_start3A_219, %dma_start3A_220] : memref<100096x16xf32, #tpu.memory_space<vmem_shared>> -> memref<100096x16xf32, #tpu.memory_space<vmem_shared>>
        tpu.enqueue_indirect_dma source(%dma_start3A_215 : memref<128x16xf32, #tpu.memory_space<vmem>>) target(%dma_start3A_221 : memref<100096x16xf32, #tpu.memory_space<vmem_shared>>) offsets(%dma_start3A_218 : memref<128xi32, #tpu.memory_space<vmem>>) semaphore(%run_scoped3A_212 : memref<!tpu.dma_semaphore, #tpu.memory_space<semaphore_mem>>) {add = true}
        %dma_wait3A_222 = arith.constant 896 : i32
        %dma_wait3A_223 = arith.constant 0 : i32
        %dma_wait3A_224 = tpu.memref_slice %arg11[%dma_wait3A_222, %dma_wait3A_223] : memref<1024x16xf32, #tpu.memory_space<vmem>> -> memref<128x16xf32, #tpu.memory_space<vmem>>
        %dma_wait3A_225 = arith.constant 0 : i32
        %dma_wait3A_226 = tpu.memref_slice %arg9[%run_scoped3A_211, %dma_wait3A_225] : memref<8x128xi32, #tpu.memory_space<vmem>> -> memref<1x128xi32, #tpu.memory_space<vmem>>
        %dma_wait3A_227 = tpu.memref_squeeze %dma_wait3A_226 : memref<1x128xi32, #tpu.memory_space<vmem>> -> memref<128xi32, #tpu.memory_space<vmem>>
        %dma_wait3A_228 = arith.constant 0 : i32
        %dma_wait3A_229 = arith.constant 0 : i32
        %dma_wait3A_230 = tpu.memref_slice %arg12[%dma_wait3A_228, %dma_wait3A_229] : memref<100096x16xf32, #tpu.memory_space<vmem_shared>> -> memref<100096x16xf32, #tpu.memory_space<vmem_shared>>
        tpu.wait_indirect_dma semaphore(%run_scoped3A_212 : memref<!tpu.dma_semaphore, #tpu.memory_space<semaphore_mem>>) src(%dma_wait3A_224 : memref<128x16xf32, #tpu.memory_space<vmem>>) dst(%dma_wait3A_230 : memref<100096x16xf32, #tpu.memory_space<vmem_shared>>)
        tpu.yield
      }) : () -> ()
    }
    %scan3A_9 = arith.constant 98 : i32
    %barrier3A_10 = arith.constant 0 : index
    tpu.barrier barrier_id(%barrier3A_10)
    %mul3A_11 = arith.constant 6256 : i32
    %mul3A_12 = arith.muli %arg1, %mul3A_11 : i32
    %mul3A_13 = arith.constant 6256 : i32
    %mul3A_14 = arith.muli %arg1, %mul3A_13 : i32
    "tpu.region"() ({
      %run_scoped3A = tpu.sem_alloc : memref<!tpu.dma_semaphore, #tpu.memory_space<semaphore_mem>>
      %dma_start3A = arith.constant 0 : i32
      %dma_start3A_15 = tpu.memref_slice %arg7[%arg0, %mul3A_14, %dma_start3A] : memref<2x100096x16xf32, #tpu.memory_space<hbm>> -> memref<1x6256x16xf32, #tpu.memory_space<hbm>>
      %dma_start3A_16 = tpu.memref_squeeze %dma_start3A_15 : memref<1x6256x16xf32, #tpu.memory_space<hbm>> -> memref<6256x16xf32, #tpu.memory_space<hbm>>
      %dma_start3A_17 = arith.constant 0 : i32
      %dma_start3A_18 = tpu.memref_slice %arg12[%mul3A_12, %dma_start3A_17] : memref<100096x16xf32, #tpu.memory_space<vmem_shared>> -> memref<6256x16xf32, #tpu.memory_space<vmem_shared>>
      tpu.enqueue_dma source(%dma_start3A_18 : memref<6256x16xf32, #tpu.memory_space<vmem_shared>>) target(%dma_start3A_16 : memref<6256x16xf32, #tpu.memory_space<hbm>>) target_semaphore(%run_scoped3A : memref<!tpu.dma_semaphore, #tpu.memory_space<semaphore_mem>>)
      %dma_wait3A = arith.constant 0 : i32
      %dma_wait3A_19 = tpu.memref_slice %arg7[%arg0, %mul3A_14, %dma_wait3A] : memref<2x100096x16xf32, #tpu.memory_space<hbm>> -> memref<1x6256x16xf32, #tpu.memory_space<hbm>>
      %dma_wait3A_20 = tpu.memref_squeeze %dma_wait3A_19 : memref<1x6256x16xf32, #tpu.memory_space<hbm>> -> memref<6256x16xf32, #tpu.memory_space<hbm>>
      %dma_wait3A_21 = arith.constant 0 : i32
      %dma_wait3A_22 = tpu.memref_slice %arg12[%mul3A_12, %dma_wait3A_21] : memref<100096x16xf32, #tpu.memory_space<vmem_shared>> -> memref<6256x16xf32, #tpu.memory_space<vmem_shared>>
      tpu.wait_dma2 semaphore(%run_scoped3A : memref<!tpu.dma_semaphore, #tpu.memory_space<semaphore_mem>>) src(%dma_wait3A_22 : memref<6256x16xf32, #tpu.memory_space<vmem_shared>>) dst(%dma_wait3A_20 : memref<6256x16xf32, #tpu.memory_space<hbm>>)
      tpu.yield
    }) : () -> ()
    return
  }
}

#map = affine_map<(d0, d1) -> (0, 0)>
#map1 = affine_map<(d0, d1) -> (0)>
#map2 = affine_map<(d0, d1) -> (0, 0, 0)>
module attributes {stable_mosaic.version = 14 : i64} {
  func.func @spmm(%arg0: i32, %arg1: i32, %arg2: memref<25088x128xi32, #tpu.memory_space<hbm>>, %arg3: memref<25088x128xi32, #tpu.memory_space<hbm>>, %arg4: memref<3211264xf32, #tpu.memory_space<hbm>>, %arg5: memref<100000x16xf32, #tpu.memory_space<hbm>>, %arg6: memref<6256x16xf32, #tpu.memory_space<hbm>>, %arg7: memref<2x100096x16xf32, #tpu.memory_space<hbm>>, %arg8: memref<8x128xi32, #tpu.memory_space<vmem>>, %arg9: memref<8x128xi32, #tpu.memory_space<vmem>>, %arg10: memref<1024xf32, #tpu.memory_space<vmem>>, %arg11: memref<1024x16xf32, #tpu.memory_space<vmem>>, %arg12: memref<100096x16xf32, #tpu.memory_space<vmem_shared>>, %arg13: memref<!tpu.dma_semaphore, #tpu.memory_space<semaphore_mem>>, %arg14: memref<!tpu.dma_semaphore, #tpu.memory_space<semaphore_mem>>) attributes {dimension_semantics = [#tpu.dimension_semantics<core_parallel>, #tpu.dimension_semantics<subcore_parallel>], iteration_bounds = array<i64: 2, 16>, scalar_prefetch = 0 : i64, scratch_operands = 7 : i64, tpu.core_type = #tpu.core_type<sc_vector_subcore>, window_params = [{transform_indices = #map}, {transform_indices = #map}, {transform_indices = #map1}, {transform_indices = #map}, {transform_indices = #map}, {transform_indices = #map2}]} {
    %mul3A = arith.constant 16 : i32
    %mul3A_0 = arith.muli %arg0, %mul3A : i32
    %add3A = arith.addi %mul3A_0, %arg1 : i32
    %mul3A_1 = arith.constant 6256 : i32
    %mul3A_2 = arith.muli %arg1, %mul3A_1 : i32
    "tpu.region"() ({
      %run_scoped3A = tpu.sem_alloc : memref<!tpu.dma_semaphore, #tpu.memory_space<semaphore_mem>>
      %dma_start3A = arith.constant 0 : i32
      %dma_start3A_15 = tpu.memref_slice %arg12[%mul3A_2, %dma_start3A] : memref<100096x16xf32, #tpu.memory_space<vmem_shared>> -> memref<6256x16xf32, #tpu.memory_space<vmem_shared>>
      tpu.enqueue_dma source(%arg6 : memref<6256x16xf32, #tpu.memory_space<hbm>>) target(%dma_start3A_15 : memref<6256x16xf32, #tpu.memory_space<vmem_shared>>) target_semaphore(%run_scoped3A : memref<!tpu.dma_semaphore, #tpu.memory_space<semaphore_mem>>)
      %dma_wait3A = arith.constant 0 : i32
      %dma_wait3A_16 = tpu.memref_slice %arg12[%mul3A_2, %dma_wait3A] : memref<100096x16xf32, #tpu.memory_space<vmem_shared>> -> memref<6256x16xf32, #tpu.memory_space<vmem_shared>>
      tpu.wait_dma2 semaphore(%run_scoped3A : memref<!tpu.dma_semaphore, #tpu.memory_space<semaphore_mem>>) src(%arg6 : memref<6256x16xf32, #tpu.memory_space<hbm>>) dst(%dma_wait3A_16 : memref<6256x16xf32, #tpu.memory_space<vmem_shared>>)
      tpu.yield
    }) : () -> ()
    %barrier3A = arith.constant 0 : index
    tpu.barrier barrier_id(%barrier3A)
    %mul3A_3 = arith.constant 784 : i32
    %mul3A_4 = arith.muli %add3A, %mul3A_3 : i32
    %scan3A = arith.constant 0 : i32
    %scan3A_5 = arith.constant 0 : i32
    %scan3A_6 = arith.constant 98 : i32
    %scan3A_7 = arith.addi %scan3A_5, %scan3A_6 : i32
    %scan3A_8 = arith.constant 1 : i32
    scf.for %scan3A_15 = %scan3A_5 to %scan3A_7 step %scan3A_8  : i32 {
      %mul3A_16 = arith.constant 8 : i32
      %mul3A_17 = arith.muli %scan3A_15, %mul3A_16 : i32
      %add3A_18 = arith.addi %mul3A_4, %mul3A_17 : i32
      %dma_start3A = arith.constant 0 : i32
      %dma_start3A_19 = tpu.memref_slice %arg2[%add3A_18, %dma_start3A] : memref<25088x128xi32, #tpu.memory_space<hbm>> -> memref<8x128xi32, #tpu.memory_space<hbm>>
      %dma_start3A_20 = arith.constant 0 : i32
      %dma_start3A_21 = tpu.memref_slice %arg2[%add3A_18, %dma_start3A_20] : memref<25088x128xi32, #tpu.memory_space<hbm>> -> memref<8x128xi32, #tpu.memory_space<hbm>>
      tpu.enqueue_dma source(%dma_start3A_21 : memref<8x128xi32, #tpu.memory_space<hbm>>) target(%arg8 : memref<8x128xi32, #tpu.memory_space<vmem>>) target_semaphore(%arg13 : memref<!tpu.dma_semaphore, #tpu.memory_space<semaphore_mem>>)
      %dma_start3A_22 = arith.constant 0 : i32
      %dma_start3A_23 = tpu.memref_slice %arg3[%add3A_18, %dma_start3A_22] : memref<25088x128xi32, #tpu.memory_space<hbm>> -> memref<8x128xi32, #tpu.memory_space<hbm>>
      %dma_start3A_24 = arith.constant 0 : i32
      %dma_start3A_25 = tpu.memref_slice %arg3[%add3A_18, %dma_start3A_24] : memref<25088x128xi32, #tpu.memory_space<hbm>> -> memref<8x128xi32, #tpu.memory_space<hbm>>
      tpu.enqueue_dma source(%dma_start3A_25 : memref<8x128xi32, #tpu.memory_space<hbm>>) target(%arg9 : memref<8x128xi32, #tpu.memory_space<vmem>>) target_semaphore(%arg13 : memref<!tpu.dma_semaphore, #tpu.memory_space<semaphore_mem>>)
      %mul3A_26 = arith.constant 128 : i32
      %mul3A_27 = arith.muli %add3A_18, %mul3A_26 : i32
      %dma_start3A_28 = tpu.memref_slice %arg4[%mul3A_27] : memref<3211264xf32, #tpu.memory_space<hbm>> -> memref<1024xf32, #tpu.memory_space<hbm>>
      %dma_start3A_29 = tpu.memref_slice %arg4[%mul3A_27] : memref<3211264xf32, #tpu.memory_space<hbm>> -> memref<1024xf32, #tpu.memory_space<hbm>>
      tpu.enqueue_dma source(%dma_start3A_29 : memref<1024xf32, #tpu.memory_space<hbm>>) target(%arg10 : memref<1024xf32, #tpu.memory_space<vmem>>) target_semaphore(%arg13 : memref<!tpu.dma_semaphore, #tpu.memory_space<semaphore_mem>>)
      %dma_wait3A = arith.constant 0 : i32
      %dma_wait3A_30 = tpu.memref_slice %arg2[%add3A_18, %dma_wait3A] : memref<25088x128xi32, #tpu.memory_space<hbm>> -> memref<8x128xi32, #tpu.memory_space<hbm>>
      %dma_wait3A_31 = arith.constant 0 : i32
      %dma_wait3A_32 = tpu.memref_slice %arg2[%add3A_18, %dma_wait3A_31] : memref<25088x128xi32, #tpu.memory_space<hbm>> -> memref<8x128xi32, #tpu.memory_space<hbm>>
      tpu.wait_dma2 semaphore(%arg13 : memref<!tpu.dma_semaphore, #tpu.memory_space<semaphore_mem>>) src(%dma_wait3A_32 : memref<8x128xi32, #tpu.memory_space<hbm>>) dst(%arg8 : memref<8x128xi32, #tpu.memory_space<vmem>>)
      %dma_wait3A_33 = arith.constant 0 : i32
      %dma_wait3A_34 = tpu.memref_slice %arg3[%add3A_18, %dma_wait3A_33] : memref<25088x128xi32, #tpu.memory_space<hbm>> -> memref<8x128xi32, #tpu.memory_space<hbm>>
      %dma_wait3A_35 = arith.constant 0 : i32
      %dma_wait3A_36 = tpu.memref_slice %arg3[%add3A_18, %dma_wait3A_35] : memref<25088x128xi32, #tpu.memory_space<hbm>> -> memref<8x128xi32, #tpu.memory_space<hbm>>
      tpu.wait_dma2 semaphore(%arg13 : memref<!tpu.dma_semaphore, #tpu.memory_space<semaphore_mem>>) src(%dma_wait3A_36 : memref<8x128xi32, #tpu.memory_space<hbm>>) dst(%arg9 : memref<8x128xi32, #tpu.memory_space<vmem>>)
      %dma_wait3A_37 = tpu.memref_slice %arg4[%mul3A_27] : memref<3211264xf32, #tpu.memory_space<hbm>> -> memref<1024xf32, #tpu.memory_space<hbm>>
      %dma_wait3A_38 = tpu.memref_slice %arg4[%mul3A_27] : memref<3211264xf32, #tpu.memory_space<hbm>> -> memref<1024xf32, #tpu.memory_space<hbm>>
      tpu.wait_dma2 semaphore(%arg13 : memref<!tpu.dma_semaphore, #tpu.memory_space<semaphore_mem>>) src(%dma_wait3A_38 : memref<1024xf32, #tpu.memory_space<hbm>>) dst(%arg10 : memref<1024xf32, #tpu.memory_space<vmem>>)
      %dma_start3A_39 = arith.constant 0 : i32
      %dma_start3A_40 = arith.constant 0 : i32
      %dma_start3A_41 = arith.constant 0 : i32
      %dma_start3A_42 = tpu.memref_slice %arg11[%dma_start3A_40, %dma_start3A_41] : memref<1024x16xf32, #tpu.memory_space<vmem>> -> memref<128x16xf32, #tpu.memory_space<vmem>>
      %dma_start3A_43 = arith.constant 0 : i32
      %dma_start3A_44 = tpu.memref_slice %arg8[%dma_start3A_39, %dma_start3A_43] : memref<8x128xi32, #tpu.memory_space<vmem>> -> memref<1x128xi32, #tpu.memory_space<vmem>>
      %dma_start3A_45 = tpu.memref_squeeze %dma_start3A_44 : memref<1x128xi32, #tpu.memory_space<vmem>> -> memref<128xi32, #tpu.memory_space<vmem>>
      %dma_start3A_46 = arith.constant 0 : i32
      %dma_start3A_47 = arith.constant 0 : i32
      %dma_start3A_48 = tpu.memref_slice %arg5[%dma_start3A_46, %dma_start3A_47] : memref<100000x16xf32, #tpu.memory_space<hbm>> -> memref<100000x16xf32, #tpu.memory_space<hbm>>
      tpu.enqueue_indirect_dma source(%dma_start3A_48 : memref<100000x16xf32, #tpu.memory_space<hbm>>) target(%dma_start3A_42 : memref<128x16xf32, #tpu.memory_space<vmem>>) offsets(%dma_start3A_45 : memref<128xi32, #tpu.memory_space<vmem>>) semaphore(%arg14 : memref<!tpu.dma_semaphore, #tpu.memory_space<semaphore_mem>>)
      %dma_start3A_49 = arith.constant 1 : i32
      %dma_start3A_50 = arith.constant 128 : i32
      %dma_start3A_51 = arith.constant 0 : i32
      %dma_start3A_52 = tpu.memref_slice %arg11[%dma_start3A_50, %dma_start3A_51] : memref<1024x16xf32, #tpu.memory_space<vmem>> -> memref<128x16xf32, #tpu.memory_space<vmem>>
      %dma_start3A_53 = arith.constant 0 : i32
      %dma_start3A_54 = tpu.memref_slice %arg8[%dma_start3A_49, %dma_start3A_53] : memref<8x128xi32, #tpu.memory_space<vmem>> -> memref<1x128xi32, #tpu.memory_space<vmem>>
      %dma_start3A_55 = tpu.memref_squeeze %dma_start3A_54 : memref<1x128xi32, #tpu.memory_space<vmem>> -> memref<128xi32, #tpu.memory_space<vmem>>
      %dma_start3A_56 = arith.constant 0 : i32
      %dma_start3A_57 = arith.constant 0 : i32
      %dma_start3A_58 = tpu.memref_slice %arg5[%dma_start3A_56, %dma_start3A_57] : memref<100000x16xf32, #tpu.memory_space<hbm>> -> memref<100000x16xf32, #tpu.memory_space<hbm>>
      tpu.enqueue_indirect_dma source(%dma_start3A_58 : memref<100000x16xf32, #tpu.memory_space<hbm>>) target(%dma_start3A_52 : memref<128x16xf32, #tpu.memory_space<vmem>>) offsets(%dma_start3A_55 : memref<128xi32, #tpu.memory_space<vmem>>) semaphore(%arg14 : memref<!tpu.dma_semaphore, #tpu.memory_space<semaphore_mem>>)
      %dma_start3A_59 = arith.constant 2 : i32
      %dma_start3A_60 = arith.constant 256 : i32
      %dma_start3A_61 = arith.constant 0 : i32
      %dma_start3A_62 = tpu.memref_slice %arg11[%dma_start3A_60, %dma_start3A_61] : memref<1024x16xf32, #tpu.memory_space<vmem>> -> memref<128x16xf32, #tpu.memory_space<vmem>>
      %dma_start3A_63 = arith.constant 0 : i32
      %dma_start3A_64 = tpu.memref_slice %arg8[%dma_start3A_59, %dma_start3A_63] : memref<8x128xi32, #tpu.memory_space<vmem>> -> memref<1x128xi32, #tpu.memory_space<vmem>>
      %dma_start3A_65 = tpu.memref_squeeze %dma_start3A_64 : memref<1x128xi32, #tpu.memory_space<vmem>> -> memref<128xi32, #tpu.memory_space<vmem>>
      %dma_start3A_66 = arith.constant 0 : i32
      %dma_start3A_67 = arith.constant 0 : i32
      %dma_start3A_68 = tpu.memref_slice %arg5[%dma_start3A_66, %dma_start3A_67] : memref<100000x16xf32, #tpu.memory_space<hbm>> -> memref<100000x16xf32, #tpu.memory_space<hbm>>
      tpu.enqueue_indirect_dma source(%dma_start3A_68 : memref<100000x16xf32, #tpu.memory_space<hbm>>) target(%dma_start3A_62 : memref<128x16xf32, #tpu.memory_space<vmem>>) offsets(%dma_start3A_65 : memref<128xi32, #tpu.memory_space<vmem>>) semaphore(%arg14 : memref<!tpu.dma_semaphore, #tpu.memory_space<semaphore_mem>>)
      %dma_start3A_69 = arith.constant 3 : i32
      %dma_start3A_70 = arith.constant 384 : i32
      %dma_start3A_71 = arith.constant 0 : i32
      %dma_start3A_72 = tpu.memref_slice %arg11[%dma_start3A_70, %dma_start3A_71] : memref<1024x16xf32, #tpu.memory_space<vmem>> -> memref<128x16xf32, #tpu.memory_space<vmem>>
      %dma_start3A_73 = arith.constant 0 : i32
      %dma_start3A_74 = tpu.memref_slice %arg8[%dma_start3A_69, %dma_start3A_73] : memref<8x128xi32, #tpu.memory_space<vmem>> -> memref<1x128xi32, #tpu.memory_space<vmem>>
      %dma_start3A_75 = tpu.memref_squeeze %dma_start3A_74 : memref<1x128xi32, #tpu.memory_space<vmem>> -> memref<128xi32, #tpu.memory_space<vmem>>
      %dma_start3A_76 = arith.constant 0 : i32
      %dma_start3A_77 = arith.constant 0 : i32
      %dma_start3A_78 = tpu.memref_slice %arg5[%dma_start3A_76, %dma_start3A_77] : memref<100000x16xf32, #tpu.memory_space<hbm>> -> memref<100000x16xf32, #tpu.memory_space<hbm>>
      tpu.enqueue_indirect_dma source(%dma_start3A_78 : memref<100000x16xf32, #tpu.memory_space<hbm>>) target(%dma_start3A_72 : memref<128x16xf32, #tpu.memory_space<vmem>>) offsets(%dma_start3A_75 : memref<128xi32, #tpu.memory_space<vmem>>) semaphore(%arg14 : memref<!tpu.dma_semaphore, #tpu.memory_space<semaphore_mem>>)
      %dma_start3A_79 = arith.constant 4 : i32
      %dma_start3A_80 = arith.constant 512 : i32
      %dma_start3A_81 = arith.constant 0 : i32
      %dma_start3A_82 = tpu.memref_slice %arg11[%dma_start3A_80, %dma_start3A_81] : memref<1024x16xf32, #tpu.memory_space<vmem>> -> memref<128x16xf32, #tpu.memory_space<vmem>>
      %dma_start3A_83 = arith.constant 0 : i32
      %dma_start3A_84 = tpu.memref_slice %arg8[%dma_start3A_79, %dma_start3A_83] : memref<8x128xi32, #tpu.memory_space<vmem>> -> memref<1x128xi32, #tpu.memory_space<vmem>>
      %dma_start3A_85 = tpu.memref_squeeze %dma_start3A_84 : memref<1x128xi32, #tpu.memory_space<vmem>> -> memref<128xi32, #tpu.memory_space<vmem>>
      %dma_start3A_86 = arith.constant 0 : i32
      %dma_start3A_87 = arith.constant 0 : i32
      %dma_start3A_88 = tpu.memref_slice %arg5[%dma_start3A_86, %dma_start3A_87] : memref<100000x16xf32, #tpu.memory_space<hbm>> -> memref<100000x16xf32, #tpu.memory_space<hbm>>
      tpu.enqueue_indirect_dma source(%dma_start3A_88 : memref<100000x16xf32, #tpu.memory_space<hbm>>) target(%dma_start3A_82 : memref<128x16xf32, #tpu.memory_space<vmem>>) offsets(%dma_start3A_85 : memref<128xi32, #tpu.memory_space<vmem>>) semaphore(%arg14 : memref<!tpu.dma_semaphore, #tpu.memory_space<semaphore_mem>>)
      %dma_start3A_89 = arith.constant 5 : i32
      %dma_start3A_90 = arith.constant 640 : i32
      %dma_start3A_91 = arith.constant 0 : i32
      %dma_start3A_92 = tpu.memref_slice %arg11[%dma_start3A_90, %dma_start3A_91] : memref<1024x16xf32, #tpu.memory_space<vmem>> -> memref<128x16xf32, #tpu.memory_space<vmem>>
      %dma_start3A_93 = arith.constant 0 : i32
      %dma_start3A_94 = tpu.memref_slice %arg8[%dma_start3A_89, %dma_start3A_93] : memref<8x128xi32, #tpu.memory_space<vmem>> -> memref<1x128xi32, #tpu.memory_space<vmem>>
      %dma_start3A_95 = tpu.memref_squeeze %dma_start3A_94 : memref<1x128xi32, #tpu.memory_space<vmem>> -> memref<128xi32, #tpu.memory_space<vmem>>
      %dma_start3A_96 = arith.constant 0 : i32
      %dma_start3A_97 = arith.constant 0 : i32
      %dma_start3A_98 = tpu.memref_slice %arg5[%dma_start3A_96, %dma_start3A_97] : memref<100000x16xf32, #tpu.memory_space<hbm>> -> memref<100000x16xf32, #tpu.memory_space<hbm>>
      tpu.enqueue_indirect_dma source(%dma_start3A_98 : memref<100000x16xf32, #tpu.memory_space<hbm>>) target(%dma_start3A_92 : memref<128x16xf32, #tpu.memory_space<vmem>>) offsets(%dma_start3A_95 : memref<128xi32, #tpu.memory_space<vmem>>) semaphore(%arg14 : memref<!tpu.dma_semaphore, #tpu.memory_space<semaphore_mem>>)
      %dma_start3A_99 = arith.constant 6 : i32
      %dma_start3A_100 = arith.constant 768 : i32
      %dma_start3A_101 = arith.constant 0 : i32
      %dma_start3A_102 = tpu.memref_slice %arg11[%dma_start3A_100, %dma_start3A_101] : memref<1024x16xf32, #tpu.memory_space<vmem>> -> memref<128x16xf32, #tpu.memory_space<vmem>>
      %dma_start3A_103 = arith.constant 0 : i32
      %dma_start3A_104 = tpu.memref_slice %arg8[%dma_start3A_99, %dma_start3A_103] : memref<8x128xi32, #tpu.memory_space<vmem>> -> memref<1x128xi32, #tpu.memory_space<vmem>>
      %dma_start3A_105 = tpu.memref_squeeze %dma_start3A_104 : memref<1x128xi32, #tpu.memory_space<vmem>> -> memref<128xi32, #tpu.memory_space<vmem>>
      %dma_start3A_106 = arith.constant 0 : i32
      %dma_start3A_107 = arith.constant 0 : i32
      %dma_start3A_108 = tpu.memref_slice %arg5[%dma_start3A_106, %dma_start3A_107] : memref<100000x16xf32, #tpu.memory_space<hbm>> -> memref<100000x16xf32, #tpu.memory_space<hbm>>
      tpu.enqueue_indirect_dma source(%dma_start3A_108 : memref<100000x16xf32, #tpu.memory_space<hbm>>) target(%dma_start3A_102 : memref<128x16xf32, #tpu.memory_space<vmem>>) offsets(%dma_start3A_105 : memref<128xi32, #tpu.memory_space<vmem>>) semaphore(%arg14 : memref<!tpu.dma_semaphore, #tpu.memory_space<semaphore_mem>>)
      %dma_start3A_109 = arith.constant 7 : i32
      %dma_start3A_110 = arith.constant 896 : i32
      %dma_start3A_111 = arith.constant 0 : i32
      %dma_start3A_112 = tpu.memref_slice %arg11[%dma_start3A_110, %dma_start3A_111] : memref<1024x16xf32, #tpu.memory_space<vmem>> -> memref<128x16xf32, #tpu.memory_space<vmem>>
      %dma_start3A_113 = arith.constant 0 : i32
      %dma_start3A_114 = tpu.memref_slice %arg8[%dma_start3A_109, %dma_start3A_113] : memref<8x128xi32, #tpu.memory_space<vmem>> -> memref<1x128xi32, #tpu.memory_space<vmem>>
      %dma_start3A_115 = tpu.memref_squeeze %dma_start3A_114 : memref<1x128xi32, #tpu.memory_space<vmem>> -> memref<128xi32, #tpu.memory_space<vmem>>
      %dma_start3A_116 = arith.constant 0 : i32
      %dma_start3A_117 = arith.constant 0 : i32
      %dma_start3A_118 = tpu.memref_slice %arg5[%dma_start3A_116, %dma_start3A_117] : memref<100000x16xf32, #tpu.memory_space<hbm>> -> memref<100000x16xf32, #tpu.memory_space<hbm>>
      tpu.enqueue_indirect_dma source(%dma_start3A_118 : memref<100000x16xf32, #tpu.memory_space<hbm>>) target(%dma_start3A_112 : memref<128x16xf32, #tpu.memory_space<vmem>>) offsets(%dma_start3A_115 : memref<128xi32, #tpu.memory_space<vmem>>) semaphore(%arg14 : memref<!tpu.dma_semaphore, #tpu.memory_space<semaphore_mem>>)
      %dma_wait3A_119 = arith.constant 0 : i32
      %dma_wait3A_120 = arith.constant 0 : i32
      %dma_wait3A_121 = arith.constant 0 : i32
      %dma_wait3A_122 = tpu.memref_slice %arg11[%dma_wait3A_120, %dma_wait3A_121] : memref<1024x16xf32, #tpu.memory_space<vmem>> -> memref<128x16xf32, #tpu.memory_space<vmem>>
      %dma_wait3A_123 = arith.constant 0 : i32
      %dma_wait3A_124 = tpu.memref_slice %arg8[%dma_wait3A_119, %dma_wait3A_123] : memref<8x128xi32, #tpu.memory_space<vmem>> -> memref<1x128xi32, #tpu.memory_space<vmem>>
      %dma_wait3A_125 = tpu.memref_squeeze %dma_wait3A_124 : memref<1x128xi32, #tpu.memory_space<vmem>> -> memref<128xi32, #tpu.memory_space<vmem>>
      %dma_wait3A_126 = arith.constant 0 : i32
      %dma_wait3A_127 = arith.constant 0 : i32
      %dma_wait3A_128 = tpu.memref_slice %arg5[%dma_wait3A_126, %dma_wait3A_127] : memref<100000x16xf32, #tpu.memory_space<hbm>> -> memref<100000x16xf32, #tpu.memory_space<hbm>>
      tpu.wait_indirect_dma semaphore(%arg14 : memref<!tpu.dma_semaphore, #tpu.memory_space<semaphore_mem>>) src(%dma_wait3A_128 : memref<100000x16xf32, #tpu.memory_space<hbm>>) dst(%dma_wait3A_122 : memref<128x16xf32, #tpu.memory_space<vmem>>)
      %dma_wait3A_129 = arith.constant 1 : i32
      %dma_wait3A_130 = arith.constant 128 : i32
      %dma_wait3A_131 = arith.constant 0 : i32
      %dma_wait3A_132 = tpu.memref_slice %arg11[%dma_wait3A_130, %dma_wait3A_131] : memref<1024x16xf32, #tpu.memory_space<vmem>> -> memref<128x16xf32, #tpu.memory_space<vmem>>
      %dma_wait3A_133 = arith.constant 0 : i32
      %dma_wait3A_134 = tpu.memref_slice %arg8[%dma_wait3A_129, %dma_wait3A_133] : memref<8x128xi32, #tpu.memory_space<vmem>> -> memref<1x128xi32, #tpu.memory_space<vmem>>
      %dma_wait3A_135 = tpu.memref_squeeze %dma_wait3A_134 : memref<1x128xi32, #tpu.memory_space<vmem>> -> memref<128xi32, #tpu.memory_space<vmem>>
      %dma_wait3A_136 = arith.constant 0 : i32
      %dma_wait3A_137 = arith.constant 0 : i32
      %dma_wait3A_138 = tpu.memref_slice %arg5[%dma_wait3A_136, %dma_wait3A_137] : memref<100000x16xf32, #tpu.memory_space<hbm>> -> memref<100000x16xf32, #tpu.memory_space<hbm>>
      tpu.wait_indirect_dma semaphore(%arg14 : memref<!tpu.dma_semaphore, #tpu.memory_space<semaphore_mem>>) src(%dma_wait3A_138 : memref<100000x16xf32, #tpu.memory_space<hbm>>) dst(%dma_wait3A_132 : memref<128x16xf32, #tpu.memory_space<vmem>>)
      %dma_wait3A_139 = arith.constant 2 : i32
      %dma_wait3A_140 = arith.constant 256 : i32
      %dma_wait3A_141 = arith.constant 0 : i32
      %dma_wait3A_142 = tpu.memref_slice %arg11[%dma_wait3A_140, %dma_wait3A_141] : memref<1024x16xf32, #tpu.memory_space<vmem>> -> memref<128x16xf32, #tpu.memory_space<vmem>>
      %dma_wait3A_143 = arith.constant 0 : i32
      %dma_wait3A_144 = tpu.memref_slice %arg8[%dma_wait3A_139, %dma_wait3A_143] : memref<8x128xi32, #tpu.memory_space<vmem>> -> memref<1x128xi32, #tpu.memory_space<vmem>>
      %dma_wait3A_145 = tpu.memref_squeeze %dma_wait3A_144 : memref<1x128xi32, #tpu.memory_space<vmem>> -> memref<128xi32, #tpu.memory_space<vmem>>
      %dma_wait3A_146 = arith.constant 0 : i32
      %dma_wait3A_147 = arith.constant 0 : i32
      %dma_wait3A_148 = tpu.memref_slice %arg5[%dma_wait3A_146, %dma_wait3A_147] : memref<100000x16xf32, #tpu.memory_space<hbm>> -> memref<100000x16xf32, #tpu.memory_space<hbm>>
      tpu.wait_indirect_dma semaphore(%arg14 : memref<!tpu.dma_semaphore, #tpu.memory_space<semaphore_mem>>) src(%dma_wait3A_148 : memref<100000x16xf32, #tpu.memory_space<hbm>>) dst(%dma_wait3A_142 : memref<128x16xf32, #tpu.memory_space<vmem>>)
      %dma_wait3A_149 = arith.constant 3 : i32
      %dma_wait3A_150 = arith.constant 384 : i32
      %dma_wait3A_151 = arith.constant 0 : i32
      %dma_wait3A_152 = tpu.memref_slice %arg11[%dma_wait3A_150, %dma_wait3A_151] : memref<1024x16xf32, #tpu.memory_space<vmem>> -> memref<128x16xf32, #tpu.memory_space<vmem>>
      %dma_wait3A_153 = arith.constant 0 : i32
      %dma_wait3A_154 = tpu.memref_slice %arg8[%dma_wait3A_149, %dma_wait3A_153] : memref<8x128xi32, #tpu.memory_space<vmem>> -> memref<1x128xi32, #tpu.memory_space<vmem>>
      %dma_wait3A_155 = tpu.memref_squeeze %dma_wait3A_154 : memref<1x128xi32, #tpu.memory_space<vmem>> -> memref<128xi32, #tpu.memory_space<vmem>>
      %dma_wait3A_156 = arith.constant 0 : i32
      %dma_wait3A_157 = arith.constant 0 : i32
      %dma_wait3A_158 = tpu.memref_slice %arg5[%dma_wait3A_156, %dma_wait3A_157] : memref<100000x16xf32, #tpu.memory_space<hbm>> -> memref<100000x16xf32, #tpu.memory_space<hbm>>
      tpu.wait_indirect_dma semaphore(%arg14 : memref<!tpu.dma_semaphore, #tpu.memory_space<semaphore_mem>>) src(%dma_wait3A_158 : memref<100000x16xf32, #tpu.memory_space<hbm>>) dst(%dma_wait3A_152 : memref<128x16xf32, #tpu.memory_space<vmem>>)
      %dma_wait3A_159 = arith.constant 4 : i32
      %dma_wait3A_160 = arith.constant 512 : i32
      %dma_wait3A_161 = arith.constant 0 : i32
      %dma_wait3A_162 = tpu.memref_slice %arg11[%dma_wait3A_160, %dma_wait3A_161] : memref<1024x16xf32, #tpu.memory_space<vmem>> -> memref<128x16xf32, #tpu.memory_space<vmem>>
      %dma_wait3A_163 = arith.constant 0 : i32
      %dma_wait3A_164 = tpu.memref_slice %arg8[%dma_wait3A_159, %dma_wait3A_163] : memref<8x128xi32, #tpu.memory_space<vmem>> -> memref<1x128xi32, #tpu.memory_space<vmem>>
      %dma_wait3A_165 = tpu.memref_squeeze %dma_wait3A_164 : memref<1x128xi32, #tpu.memory_space<vmem>> -> memref<128xi32, #tpu.memory_space<vmem>>
      %dma_wait3A_166 = arith.constant 0 : i32
      %dma_wait3A_167 = arith.constant 0 : i32
      %dma_wait3A_168 = tpu.memref_slice %arg5[%dma_wait3A_166, %dma_wait3A_167] : memref<100000x16xf32, #tpu.memory_space<hbm>> -> memref<100000x16xf32, #tpu.memory_space<hbm>>
      tpu.wait_indirect_dma semaphore(%arg14 : memref<!tpu.dma_semaphore, #tpu.memory_space<semaphore_mem>>) src(%dma_wait3A_168 : memref<100000x16xf32, #tpu.memory_space<hbm>>) dst(%dma_wait3A_162 : memref<128x16xf32, #tpu.memory_space<vmem>>)
      %dma_wait3A_169 = arith.constant 5 : i32
      %dma_wait3A_170 = arith.constant 640 : i32
      %dma_wait3A_171 = arith.constant 0 : i32
      %dma_wait3A_172 = tpu.memref_slice %arg11[%dma_wait3A_170, %dma_wait3A_171] : memref<1024x16xf32, #tpu.memory_space<vmem>> -> memref<128x16xf32, #tpu.memory_space<vmem>>
      %dma_wait3A_173 = arith.constant 0 : i32
      %dma_wait3A_174 = tpu.memref_slice %arg8[%dma_wait3A_169, %dma_wait3A_173] : memref<8x128xi32, #tpu.memory_space<vmem>> -> memref<1x128xi32, #tpu.memory_space<vmem>>
      %dma_wait3A_175 = tpu.memref_squeeze %dma_wait3A_174 : memref<1x128xi32, #tpu.memory_space<vmem>> -> memref<128xi32, #tpu.memory_space<vmem>>
      %dma_wait3A_176 = arith.constant 0 : i32
      %dma_wait3A_177 = arith.constant 0 : i32
      %dma_wait3A_178 = tpu.memref_slice %arg5[%dma_wait3A_176, %dma_wait3A_177] : memref<100000x16xf32, #tpu.memory_space<hbm>> -> memref<100000x16xf32, #tpu.memory_space<hbm>>
      tpu.wait_indirect_dma semaphore(%arg14 : memref<!tpu.dma_semaphore, #tpu.memory_space<semaphore_mem>>) src(%dma_wait3A_178 : memref<100000x16xf32, #tpu.memory_space<hbm>>) dst(%dma_wait3A_172 : memref<128x16xf32, #tpu.memory_space<vmem>>)
      %dma_wait3A_179 = arith.constant 6 : i32
      %dma_wait3A_180 = arith.constant 768 : i32
      %dma_wait3A_181 = arith.constant 0 : i32
      %dma_wait3A_182 = tpu.memref_slice %arg11[%dma_wait3A_180, %dma_wait3A_181] : memref<1024x16xf32, #tpu.memory_space<vmem>> -> memref<128x16xf32, #tpu.memory_space<vmem>>
      %dma_wait3A_183 = arith.constant 0 : i32
      %dma_wait3A_184 = tpu.memref_slice %arg8[%dma_wait3A_179, %dma_wait3A_183] : memref<8x128xi32, #tpu.memory_space<vmem>> -> memref<1x128xi32, #tpu.memory_space<vmem>>
      %dma_wait3A_185 = tpu.memref_squeeze %dma_wait3A_184 : memref<1x128xi32, #tpu.memory_space<vmem>> -> memref<128xi32, #tpu.memory_space<vmem>>
      %dma_wait3A_186 = arith.constant 0 : i32
      %dma_wait3A_187 = arith.constant 0 : i32
      %dma_wait3A_188 = tpu.memref_slice %arg5[%dma_wait3A_186, %dma_wait3A_187] : memref<100000x16xf32, #tpu.memory_space<hbm>> -> memref<100000x16xf32, #tpu.memory_space<hbm>>
      tpu.wait_indirect_dma semaphore(%arg14 : memref<!tpu.dma_semaphore, #tpu.memory_space<semaphore_mem>>) src(%dma_wait3A_188 : memref<100000x16xf32, #tpu.memory_space<hbm>>) dst(%dma_wait3A_182 : memref<128x16xf32, #tpu.memory_space<vmem>>)
      %dma_wait3A_189 = arith.constant 7 : i32
      %dma_wait3A_190 = arith.constant 896 : i32
      %dma_wait3A_191 = arith.constant 0 : i32
      %dma_wait3A_192 = tpu.memref_slice %arg11[%dma_wait3A_190, %dma_wait3A_191] : memref<1024x16xf32, #tpu.memory_space<vmem>> -> memref<128x16xf32, #tpu.memory_space<vmem>>
      %dma_wait3A_193 = arith.constant 0 : i32
      %dma_wait3A_194 = tpu.memref_slice %arg8[%dma_wait3A_189, %dma_wait3A_193] : memref<8x128xi32, #tpu.memory_space<vmem>> -> memref<1x128xi32, #tpu.memory_space<vmem>>
      %dma_wait3A_195 = tpu.memref_squeeze %dma_wait3A_194 : memref<1x128xi32, #tpu.memory_space<vmem>> -> memref<128xi32, #tpu.memory_space<vmem>>
      %dma_wait3A_196 = arith.constant 0 : i32
      %dma_wait3A_197 = arith.constant 0 : i32
      %dma_wait3A_198 = tpu.memref_slice %arg5[%dma_wait3A_196, %dma_wait3A_197] : memref<100000x16xf32, #tpu.memory_space<hbm>> -> memref<100000x16xf32, #tpu.memory_space<hbm>>
      tpu.wait_indirect_dma semaphore(%arg14 : memref<!tpu.dma_semaphore, #tpu.memory_space<semaphore_mem>>) src(%dma_wait3A_198 : memref<100000x16xf32, #tpu.memory_space<hbm>>) dst(%dma_wait3A_192 : memref<128x16xf32, #tpu.memory_space<vmem>>)
      %iota3A = tpu.iota {dimensions = array<i32: 0>} : vector<16xi32>
      %scan3A_199 = arith.constant 0 : i32
      %scan3A_200 = arith.constant 0 : i32
      %scan3A_201 = arith.constant 1024 : i32
      %scan3A_202 = arith.addi %scan3A_200, %scan3A_201 : i32
      %scan3A_203 = arith.constant 4 : i32
      scf.for %scan3A_212 = %scan3A_200 to %scan3A_202 step %scan3A_203  : i32 {
        %broadcast_in_dim3A = vector.broadcast %scan3A_212 : i32 to vector<16xi32>
        %gather3A = tpu.vector_load_idx %arg10[%broadcast_in_dim3A] : memref<1024xf32, #tpu.memory_space<vmem>>[vector<16xi32>], vector<16xf32>,
        %gather3A_213 = tpu.vector_load_idx %arg11[%broadcast_in_dim3A, %iota3A] : memref<1024x16xf32, #tpu.memory_space<vmem>>[vector<16xi32>, vector<16xi32>], vector<16xf32>,
        %mul3A_214 = arith.mulf %gather3A_213, %gather3A : vector<16xf32>
        tpu.vector_store_idx %arg11[%broadcast_in_dim3A, %iota3A], %mul3A_214 : memref<1024x16xf32, #tpu.memory_space<vmem>>[vector<16xi32>, vector<16xi32>], vector<16xf32>,
        %scan3A_215 = arith.constant 1 : i32
        %scan3A_216 = arith.addi %scan3A_212, %scan3A_215 : i32
        %broadcast_in_dim3A_217 = vector.broadcast %scan3A_216 : i32 to vector<16xi32>
        %gather3A_218 = tpu.vector_load_idx %arg10[%broadcast_in_dim3A_217] : memref<1024xf32, #tpu.memory_space<vmem>>[vector<16xi32>], vector<16xf32>,
        %gather3A_219 = tpu.vector_load_idx %arg11[%broadcast_in_dim3A_217, %iota3A] : memref<1024x16xf32, #tpu.memory_space<vmem>>[vector<16xi32>, vector<16xi32>], vector<16xf32>,
        %mul3A_220 = arith.mulf %gather3A_219, %gather3A_218 : vector<16xf32>
        tpu.vector_store_idx %arg11[%broadcast_in_dim3A_217, %iota3A], %mul3A_220 : memref<1024x16xf32, #tpu.memory_space<vmem>>[vector<16xi32>, vector<16xi32>], vector<16xf32>,
        %scan3A_221 = arith.constant 2 : i32
        %scan3A_222 = arith.addi %scan3A_212, %scan3A_221 : i32
        %broadcast_in_dim3A_223 = vector.broadcast %scan3A_222 : i32 to vector<16xi32>
        %gather3A_224 = tpu.vector_load_idx %arg10[%broadcast_in_dim3A_223] : memref<1024xf32, #tpu.memory_space<vmem>>[vector<16xi32>], vector<16xf32>,
        %gather3A_225 = tpu.vector_load_idx %arg11[%broadcast_in_dim3A_223, %iota3A] : memref<1024x16xf32, #tpu.memory_space<vmem>>[vector<16xi32>, vector<16xi32>], vector<16xf32>,
        %mul3A_226 = arith.mulf %gather3A_225, %gather3A_224 : vector<16xf32>
        tpu.vector_store_idx %arg11[%broadcast_in_dim3A_223, %iota3A], %mul3A_226 : memref<1024x16xf32, #tpu.memory_space<vmem>>[vector<16xi32>, vector<16xi32>], vector<16xf32>,
        %scan3A_227 = arith.constant 3 : i32
        %scan3A_228 = arith.addi %scan3A_212, %scan3A_227 : i32
        %broadcast_in_dim3A_229 = vector.broadcast %scan3A_228 : i32 to vector<16xi32>
        %gather3A_230 = tpu.vector_load_idx %arg10[%broadcast_in_dim3A_229] : memref<1024xf32, #tpu.memory_space<vmem>>[vector<16xi32>], vector<16xf32>,
        %gather3A_231 = tpu.vector_load_idx %arg11[%broadcast_in_dim3A_229, %iota3A] : memref<1024x16xf32, #tpu.memory_space<vmem>>[vector<16xi32>, vector<16xi32>], vector<16xf32>,
        %mul3A_232 = arith.mulf %gather3A_231, %gather3A_230 : vector<16xf32>
        tpu.vector_store_idx %arg11[%broadcast_in_dim3A_229, %iota3A], %mul3A_232 : memref<1024x16xf32, #tpu.memory_space<vmem>>[vector<16xi32>, vector<16xi32>], vector<16xf32>,
      }
      %scan3A_204 = arith.constant 1024 : i32
      %run_scoped3A = arith.constant 0 : i32
      "tpu.region"() ({
        %run_scoped3A_212 = tpu.sem_alloc : memref<!tpu.dma_semaphore, #tpu.memory_space<semaphore_mem>>
        %dma_start3A_213 = arith.constant 0 : i32
        %dma_start3A_214 = arith.constant 0 : i32
        %dma_start3A_215 = tpu.memref_slice %arg11[%dma_start3A_213, %dma_start3A_214] : memref<1024x16xf32, #tpu.memory_space<vmem>> -> memref<128x16xf32, #tpu.memory_space<vmem>>
        %dma_start3A_216 = arith.constant 0 : i32
        %dma_start3A_217 = tpu.memref_slice %arg9[%run_scoped3A, %dma_start3A_216] : memref<8x128xi32, #tpu.memory_space<vmem>> -> memref<1x128xi32, #tpu.memory_space<vmem>>
        %dma_start3A_218 = tpu.memref_squeeze %dma_start3A_217 : memref<1x128xi32, #tpu.memory_space<vmem>> -> memref<128xi32, #tpu.memory_space<vmem>>
        %dma_start3A_219 = arith.constant 0 : i32
        %dma_start3A_220 = arith.constant 0 : i32
        %dma_start3A_221 = tpu.memref_slice %arg12[%dma_start3A_219, %dma_start3A_220] : memref<100096x16xf32, #tpu.memory_space<vmem_shared>> -> memref<100096x16xf32, #tpu.memory_space<vmem_shared>>
        tpu.enqueue_indirect_dma source(%dma_start3A_215 : memref<128x16xf32, #tpu.memory_space<vmem>>) target(%dma_start3A_221 : memref<100096x16xf32, #tpu.memory_space<vmem_shared>>) offsets(%dma_start3A_218 : memref<128xi32, #tpu.memory_space<vmem>>) semaphore(%run_scoped3A_212 : memref<!tpu.dma_semaphore, #tpu.memory_space<semaphore_mem>>) {add = true}
        %dma_wait3A_222 = arith.constant 0 : i32
        %dma_wait3A_223 = arith.constant 0 : i32
        %dma_wait3A_224 = tpu.memref_slice %arg11[%dma_wait3A_222, %dma_wait3A_223] : memref<1024x16xf32, #tpu.memory_space<vmem>> -> memref<128x16xf32, #tpu.memory_space<vmem>>
        %dma_wait3A_225 = arith.constant 0 : i32
        %dma_wait3A_226 = tpu.memref_slice %arg9[%run_scoped3A, %dma_wait3A_225] : memref<8x128xi32, #tpu.memory_space<vmem>> -> memref<1x128xi32, #tpu.memory_space<vmem>>
        %dma_wait3A_227 = tpu.memref_squeeze %dma_wait3A_226 : memref<1x128xi32, #tpu.memory_space<vmem>> -> memref<128xi32, #tpu.memory_space<vmem>>
        %dma_wait3A_228 = arith.constant 0 : i32
        %dma_wait3A_229 = arith.constant 0 : i32
        %dma_wait3A_230 = tpu.memref_slice %arg12[%dma_wait3A_228, %dma_wait3A_229] : memref<100096x16xf32, #tpu.memory_space<vmem_shared>> -> memref<100096x16xf32, #tpu.memory_space<vmem_shared>>
        tpu.wait_indirect_dma semaphore(%run_scoped3A_212 : memref<!tpu.dma_semaphore, #tpu.memory_space<semaphore_mem>>) src(%dma_wait3A_224 : memref<128x16xf32, #tpu.memory_space<vmem>>) dst(%dma_wait3A_230 : memref<100096x16xf32, #tpu.memory_space<vmem_shared>>)
        tpu.yield
      }) : () -> ()
      %run_scoped3A_205 = arith.constant 1 : i32
      "tpu.region"() ({
        %run_scoped3A_212 = tpu.sem_alloc : memref<!tpu.dma_semaphore, #tpu.memory_space<semaphore_mem>>
        %dma_start3A_213 = arith.constant 128 : i32
        %dma_start3A_214 = arith.constant 0 : i32
        %dma_start3A_215 = tpu.memref_slice %arg11[%dma_start3A_213, %dma_start3A_214] : memref<1024x16xf32, #tpu.memory_space<vmem>> -> memref<128x16xf32, #tpu.memory_space<vmem>>
        %dma_start3A_216 = arith.constant 0 : i32
        %dma_start3A_217 = tpu.memref_slice %arg9[%run_scoped3A_205, %dma_start3A_216] : memref<8x128xi32, #tpu.memory_space<vmem>> -> memref<1x128xi32, #tpu.memory_space<vmem>>
        %dma_start3A_218 = tpu.memref_squeeze %dma_start3A_217 : memref<1x128xi32, #tpu.memory_space<vmem>> -> memref<128xi32, #tpu.memory_space<vmem>>
        %dma_start3A_219 = arith.constant 0 : i32
        %dma_start3A_220 = arith.constant 0 : i32
        %dma_start3A_221 = tpu.memref_slice %arg12[%dma_start3A_219, %dma_start3A_220] : memref<100096x16xf32, #tpu.memory_space<vmem_shared>> -> memref<100096x16xf32, #tpu.memory_space<vmem_shared>>
        tpu.enqueue_indirect_dma source(%dma_start3A_215 : memref<128x16xf32, #tpu.memory_space<vmem>>) target(%dma_start3A_221 : memref<100096x16xf32, #tpu.memory_space<vmem_shared>>) offsets(%dma_start3A_218 : memref<128xi32, #tpu.memory_space<vmem>>) semaphore(%run_scoped3A_212 : memref<!tpu.dma_semaphore, #tpu.memory_space<semaphore_mem>>) {add = true}
        %dma_wait3A_222 = arith.constant 128 : i32
        %dma_wait3A_223 = arith.constant 0 : i32
        %dma_wait3A_224 = tpu.memref_slice %arg11[%dma_wait3A_222, %dma_wait3A_223] : memref<1024x16xf32, #tpu.memory_space<vmem>> -> memref<128x16xf32, #tpu.memory_space<vmem>>
        %dma_wait3A_225 = arith.constant 0 : i32
        %dma_wait3A_226 = tpu.memref_slice %arg9[%run_scoped3A_205, %dma_wait3A_225] : memref<8x128xi32, #tpu.memory_space<vmem>> -> memref<1x128xi32, #tpu.memory_space<vmem>>
        %dma_wait3A_227 = tpu.memref_squeeze %dma_wait3A_226 : memref<1x128xi32, #tpu.memory_space<vmem>> -> memref<128xi32, #tpu.memory_space<vmem>>
        %dma_wait3A_228 = arith.constant 0 : i32
        %dma_wait3A_229 = arith.constant 0 : i32
        %dma_wait3A_230 = tpu.memref_slice %arg12[%dma_wait3A_228, %dma_wait3A_229] : memref<100096x16xf32, #tpu.memory_space<vmem_shared>> -> memref<100096x16xf32, #tpu.memory_space<vmem_shared>>
        tpu.wait_indirect_dma semaphore(%run_scoped3A_212 : memref<!tpu.dma_semaphore, #tpu.memory_space<semaphore_mem>>) src(%dma_wait3A_224 : memref<128x16xf32, #tpu.memory_space<vmem>>) dst(%dma_wait3A_230 : memref<100096x16xf32, #tpu.memory_space<vmem_shared>>)
        tpu.yield
      }) : () -> ()
      %run_scoped3A_206 = arith.constant 2 : i32
      "tpu.region"() ({
        %run_scoped3A_212 = tpu.sem_alloc : memref<!tpu.dma_semaphore, #tpu.memory_space<semaphore_mem>>
        %dma_start3A_213 = arith.constant 256 : i32
        %dma_start3A_214 = arith.constant 0 : i32
        %dma_start3A_215 = tpu.memref_slice %arg11[%dma_start3A_213, %dma_start3A_214] : memref<1024x16xf32, #tpu.memory_space<vmem>> -> memref<128x16xf32, #tpu.memory_space<vmem>>
        %dma_start3A_216 = arith.constant 0 : i32
        %dma_start3A_217 = tpu.memref_slice %arg9[%run_scoped3A_206, %dma_start3A_216] : memref<8x128xi32, #tpu.memory_space<vmem>> -> memref<1x128xi32, #tpu.memory_space<vmem>>
        %dma_start3A_218 = tpu.memref_squeeze %dma_start3A_217 : memref<1x128xi32, #tpu.memory_space<vmem>> -> memref<128xi32, #tpu.memory_space<vmem>>
        %dma_start3A_219 = arith.constant 0 : i32
        %dma_start3A_220 = arith.constant 0 : i32
        %dma_start3A_221 = tpu.memref_slice %arg12[%dma_start3A_219, %dma_start3A_220] : memref<100096x16xf32, #tpu.memory_space<vmem_shared>> -> memref<100096x16xf32, #tpu.memory_space<vmem_shared>>
        tpu.enqueue_indirect_dma source(%dma_start3A_215 : memref<128x16xf32, #tpu.memory_space<vmem>>) target(%dma_start3A_221 : memref<100096x16xf32, #tpu.memory_space<vmem_shared>>) offsets(%dma_start3A_218 : memref<128xi32, #tpu.memory_space<vmem>>) semaphore(%run_scoped3A_212 : memref<!tpu.dma_semaphore, #tpu.memory_space<semaphore_mem>>) {add = true}
        %dma_wait3A_222 = arith.constant 256 : i32
        %dma_wait3A_223 = arith.constant 0 : i32
        %dma_wait3A_224 = tpu.memref_slice %arg11[%dma_wait3A_222, %dma_wait3A_223] : memref<1024x16xf32, #tpu.memory_space<vmem>> -> memref<128x16xf32, #tpu.memory_space<vmem>>
        %dma_wait3A_225 = arith.constant 0 : i32
        %dma_wait3A_226 = tpu.memref_slice %arg9[%run_scoped3A_206, %dma_wait3A_225] : memref<8x128xi32, #tpu.memory_space<vmem>> -> memref<1x128xi32, #tpu.memory_space<vmem>>
        %dma_wait3A_227 = tpu.memref_squeeze %dma_wait3A_226 : memref<1x128xi32, #tpu.memory_space<vmem>> -> memref<128xi32, #tpu.memory_space<vmem>>
        %dma_wait3A_228 = arith.constant 0 : i32
        %dma_wait3A_229 = arith.constant 0 : i32
        %dma_wait3A_230 = tpu.memref_slice %arg12[%dma_wait3A_228, %dma_wait3A_229] : memref<100096x16xf32, #tpu.memory_space<vmem_shared>> -> memref<100096x16xf32, #tpu.memory_space<vmem_shared>>
        tpu.wait_indirect_dma semaphore(%run_scoped3A_212 : memref<!tpu.dma_semaphore, #tpu.memory_space<semaphore_mem>>) src(%dma_wait3A_224 : memref<128x16xf32, #tpu.memory_space<vmem>>) dst(%dma_wait3A_230 : memref<100096x16xf32, #tpu.memory_space<vmem_shared>>)
        tpu.yield
      }) : () -> ()
      %run_scoped3A_207 = arith.constant 3 : i32
      "tpu.region"() ({
        %run_scoped3A_212 = tpu.sem_alloc : memref<!tpu.dma_semaphore, #tpu.memory_space<semaphore_mem>>
        %dma_start3A_213 = arith.constant 384 : i32
        %dma_start3A_214 = arith.constant 0 : i32
        %dma_start3A_215 = tpu.memref_slice %arg11[%dma_start3A_213, %dma_start3A_214] : memref<1024x16xf32, #tpu.memory_space<vmem>> -> memref<128x16xf32, #tpu.memory_space<vmem>>
        %dma_start3A_216 = arith.constant 0 : i32
        %dma_start3A_217 = tpu.memref_slice %arg9[%run_scoped3A_207, %dma_start3A_216] : memref<8x128xi32, #tpu.memory_space<vmem>> -> memref<1x128xi32, #tpu.memory_space<vmem>>
        %dma_start3A_218 = tpu.memref_squeeze %dma_start3A_217 : memref<1x128xi32, #tpu.memory_space<vmem>> -> memref<128xi32, #tpu.memory_space<vmem>>
        %dma_start3A_219 = arith.constant 0 : i32
        %dma_start3A_220 = arith.constant 0 : i32
        %dma_start3A_221 = tpu.memref_slice %arg12[%dma_start3A_219, %dma_start3A_220] : memref<100096x16xf32, #tpu.memory_space<vmem_shared>> -> memref<100096x16xf32, #tpu.memory_space<vmem_shared>>
        tpu.enqueue_indirect_dma source(%dma_start3A_215 : memref<128x16xf32, #tpu.memory_space<vmem>>) target(%dma_start3A_221 : memref<100096x16xf32, #tpu.memory_space<vmem_shared>>) offsets(%dma_start3A_218 : memref<128xi32, #tpu.memory_space<vmem>>) semaphore(%run_scoped3A_212 : memref<!tpu.dma_semaphore, #tpu.memory_space<semaphore_mem>>) {add = true}
        %dma_wait3A_222 = arith.constant 384 : i32
        %dma_wait3A_223 = arith.constant 0 : i32
        %dma_wait3A_224 = tpu.memref_slice %arg11[%dma_wait3A_222, %dma_wait3A_223] : memref<1024x16xf32, #tpu.memory_space<vmem>> -> memref<128x16xf32, #tpu.memory_space<vmem>>
        %dma_wait3A_225 = arith.constant 0 : i32
        %dma_wait3A_226 = tpu.memref_slice %arg9[%run_scoped3A_207, %dma_wait3A_225] : memref<8x128xi32, #tpu.memory_space<vmem>> -> memref<1x128xi32, #tpu.memory_space<vmem>>
        %dma_wait3A_227 = tpu.memref_squeeze %dma_wait3A_226 : memref<1x128xi32, #tpu.memory_space<vmem>> -> memref<128xi32, #tpu.memory_space<vmem>>
        %dma_wait3A_228 = arith.constant 0 : i32
        %dma_wait3A_229 = arith.constant 0 : i32
        %dma_wait3A_230 = tpu.memref_slice %arg12[%dma_wait3A_228, %dma_wait3A_229] : memref<100096x16xf32, #tpu.memory_space<vmem_shared>> -> memref<100096x16xf32, #tpu.memory_space<vmem_shared>>
        tpu.wait_indirect_dma semaphore(%run_scoped3A_212 : memref<!tpu.dma_semaphore, #tpu.memory_space<semaphore_mem>>) src(%dma_wait3A_224 : memref<128x16xf32, #tpu.memory_space<vmem>>) dst(%dma_wait3A_230 : memref<100096x16xf32, #tpu.memory_space<vmem_shared>>)
        tpu.yield
      }) : () -> ()
      %run_scoped3A_208 = arith.constant 4 : i32
      "tpu.region"() ({
        %run_scoped3A_212 = tpu.sem_alloc : memref<!tpu.dma_semaphore, #tpu.memory_space<semaphore_mem>>
        %dma_start3A_213 = arith.constant 512 : i32
        %dma_start3A_214 = arith.constant 0 : i32
        %dma_start3A_215 = tpu.memref_slice %arg11[%dma_start3A_213, %dma_start3A_214] : memref<1024x16xf32, #tpu.memory_space<vmem>> -> memref<128x16xf32, #tpu.memory_space<vmem>>
        %dma_start3A_216 = arith.constant 0 : i32
        %dma_start3A_217 = tpu.memref_slice %arg9[%run_scoped3A_208, %dma_start3A_216] : memref<8x128xi32, #tpu.memory_space<vmem>> -> memref<1x128xi32, #tpu.memory_space<vmem>>
        %dma_start3A_218 = tpu.memref_squeeze %dma_start3A_217 : memref<1x128xi32, #tpu.memory_space<vmem>> -> memref<128xi32, #tpu.memory_space<vmem>>
        %dma_start3A_219 = arith.constant 0 : i32
        %dma_start3A_220 = arith.constant 0 : i32
        %dma_start3A_221 = tpu.memref_slice %arg12[%dma_start3A_219, %dma_start3A_220] : memref<100096x16xf32, #tpu.memory_space<vmem_shared>> -> memref<100096x16xf32, #tpu.memory_space<vmem_shared>>
        tpu.enqueue_indirect_dma source(%dma_start3A_215 : memref<128x16xf32, #tpu.memory_space<vmem>>) target(%dma_start3A_221 : memref<100096x16xf32, #tpu.memory_space<vmem_shared>>) offsets(%dma_start3A_218 : memref<128xi32, #tpu.memory_space<vmem>>) semaphore(%run_scoped3A_212 : memref<!tpu.dma_semaphore, #tpu.memory_space<semaphore_mem>>) {add = true}
        %dma_wait3A_222 = arith.constant 512 : i32
        %dma_wait3A_223 = arith.constant 0 : i32
        %dma_wait3A_224 = tpu.memref_slice %arg11[%dma_wait3A_222, %dma_wait3A_223] : memref<1024x16xf32, #tpu.memory_space<vmem>> -> memref<128x16xf32, #tpu.memory_space<vmem>>
        %dma_wait3A_225 = arith.constant 0 : i32
        %dma_wait3A_226 = tpu.memref_slice %arg9[%run_scoped3A_208, %dma_wait3A_225] : memref<8x128xi32, #tpu.memory_space<vmem>> -> memref<1x128xi32, #tpu.memory_space<vmem>>
        %dma_wait3A_227 = tpu.memref_squeeze %dma_wait3A_226 : memref<1x128xi32, #tpu.memory_space<vmem>> -> memref<128xi32, #tpu.memory_space<vmem>>
        %dma_wait3A_228 = arith.constant 0 : i32
        %dma_wait3A_229 = arith.constant 0 : i32
        %dma_wait3A_230 = tpu.memref_slice %arg12[%dma_wait3A_228, %dma_wait3A_229] : memref<100096x16xf32, #tpu.memory_space<vmem_shared>> -> memref<100096x16xf32, #tpu.memory_space<vmem_shared>>
        tpu.wait_indirect_dma semaphore(%run_scoped3A_212 : memref<!tpu.dma_semaphore, #tpu.memory_space<semaphore_mem>>) src(%dma_wait3A_224 : memref<128x16xf32, #tpu.memory_space<vmem>>) dst(%dma_wait3A_230 : memref<100096x16xf32, #tpu.memory_space<vmem_shared>>)
        tpu.yield
      }) : () -> ()
      %run_scoped3A_209 = arith.constant 5 : i32
      "tpu.region"() ({
        %run_scoped3A_212 = tpu.sem_alloc : memref<!tpu.dma_semaphore, #tpu.memory_space<semaphore_mem>>
        %dma_start3A_213 = arith.constant 640 : i32
        %dma_start3A_214 = arith.constant 0 : i32
        %dma_start3A_215 = tpu.memref_slice %arg11[%dma_start3A_213, %dma_start3A_214] : memref<1024x16xf32, #tpu.memory_space<vmem>> -> memref<128x16xf32, #tpu.memory_space<vmem>>
        %dma_start3A_216 = arith.constant 0 : i32
        %dma_start3A_217 = tpu.memref_slice %arg9[%run_scoped3A_209, %dma_start3A_216] : memref<8x128xi32, #tpu.memory_space<vmem>> -> memref<1x128xi32, #tpu.memory_space<vmem>>
        %dma_start3A_218 = tpu.memref_squeeze %dma_start3A_217 : memref<1x128xi32, #tpu.memory_space<vmem>> -> memref<128xi32, #tpu.memory_space<vmem>>
        %dma_start3A_219 = arith.constant 0 : i32
        %dma_start3A_220 = arith.constant 0 : i32
        %dma_start3A_221 = tpu.memref_slice %arg12[%dma_start3A_219, %dma_start3A_220] : memref<100096x16xf32, #tpu.memory_space<vmem_shared>> -> memref<100096x16xf32, #tpu.memory_space<vmem_shared>>
        tpu.enqueue_indirect_dma source(%dma_start3A_215 : memref<128x16xf32, #tpu.memory_space<vmem>>) target(%dma_start3A_221 : memref<100096x16xf32, #tpu.memory_space<vmem_shared>>) offsets(%dma_start3A_218 : memref<128xi32, #tpu.memory_space<vmem>>) semaphore(%run_scoped3A_212 : memref<!tpu.dma_semaphore, #tpu.memory_space<semaphore_mem>>) {add = true}
        %dma_wait3A_222 = arith.constant 640 : i32
        %dma_wait3A_223 = arith.constant 0 : i32
        %dma_wait3A_224 = tpu.memref_slice %arg11[%dma_wait3A_222, %dma_wait3A_223] : memref<1024x16xf32, #tpu.memory_space<vmem>> -> memref<128x16xf32, #tpu.memory_space<vmem>>
        %dma_wait3A_225 = arith.constant 0 : i32
        %dma_wait3A_226 = tpu.memref_slice %arg9[%run_scoped3A_209, %dma_wait3A_225] : memref<8x128xi32, #tpu.memory_space<vmem>> -> memref<1x128xi32, #tpu.memory_space<vmem>>
        %dma_wait3A_227 = tpu.memref_squeeze %dma_wait3A_226 : memref<1x128xi32, #tpu.memory_space<vmem>> -> memref<128xi32, #tpu.memory_space<vmem>>
        %dma_wait3A_228 = arith.constant 0 : i32
        %dma_wait3A_229 = arith.constant 0 : i32
        %dma_wait3A_230 = tpu.memref_slice %arg12[%dma_wait3A_228, %dma_wait3A_229] : memref<100096x16xf32, #tpu.memory_space<vmem_shared>> -> memref<100096x16xf32, #tpu.memory_space<vmem_shared>>
        tpu.wait_indirect_dma semaphore(%run_scoped3A_212 : memref<!tpu.dma_semaphore, #tpu.memory_space<semaphore_mem>>) src(%dma_wait3A_224 : memref<128x16xf32, #tpu.memory_space<vmem>>) dst(%dma_wait3A_230 : memref<100096x16xf32, #tpu.memory_space<vmem_shared>>)
        tpu.yield
      }) : () -> ()
      %run_scoped3A_210 = arith.constant 6 : i32
      "tpu.region"() ({
        %run_scoped3A_212 = tpu.sem_alloc : memref<!tpu.dma_semaphore, #tpu.memory_space<semaphore_mem>>
        %dma_start3A_213 = arith.constant 768 : i32
        %dma_start3A_214 = arith.constant 0 : i32
        %dma_start3A_215 = tpu.memref_slice %arg11[%dma_start3A_213, %dma_start3A_214] : memref<1024x16xf32, #tpu.memory_space<vmem>> -> memref<128x16xf32, #tpu.memory_space<vmem>>
        %dma_start3A_216 = arith.constant 0 : i32
        %dma_start3A_217 = tpu.memref_slice %arg9[%run_scoped3A_210, %dma_start3A_216] : memref<8x128xi32, #tpu.memory_space<vmem>> -> memref<1x128xi32, #tpu.memory_space<vmem>>
        %dma_start3A_218 = tpu.memref_squeeze %dma_start3A_217 : memref<1x128xi32, #tpu.memory_space<vmem>> -> memref<128xi32, #tpu.memory_space<vmem>>
        %dma_start3A_219 = arith.constant 0 : i32
        %dma_start3A_220 = arith.constant 0 : i32
        %dma_start3A_221 = tpu.memref_slice %arg12[%dma_start3A_219, %dma_start3A_220] : memref<100096x16xf32, #tpu.memory_space<vmem_shared>> -> memref<100096x16xf32, #tpu.memory_space<vmem_shared>>
        tpu.enqueue_indirect_dma source(%dma_start3A_215 : memref<128x16xf32, #tpu.memory_space<vmem>>) target(%dma_start3A_221 : memref<100096x16xf32, #tpu.memory_space<vmem_shared>>) offsets(%dma_start3A_218 : memref<128xi32, #tpu.memory_space<vmem>>) semaphore(%run_scoped3A_212 : memref<!tpu.dma_semaphore, #tpu.memory_space<semaphore_mem>>) {add = true}
        %dma_wait3A_222 = arith.constant 768 : i32
        %dma_wait3A_223 = arith.constant 0 : i32
        %dma_wait3A_224 = tpu.memref_slice %arg11[%dma_wait3A_222, %dma_wait3A_223] : memref<1024x16xf32, #tpu.memory_space<vmem>> -> memref<128x16xf32, #tpu.memory_space<vmem>>
        %dma_wait3A_225 = arith.constant 0 : i32
        %dma_wait3A_226 = tpu.memref_slice %arg9[%run_scoped3A_210, %dma_wait3A_225] : memref<8x128xi32, #tpu.memory_space<vmem>> -> memref<1x128xi32, #tpu.memory_space<vmem>>
        %dma_wait3A_227 = tpu.memref_squeeze %dma_wait3A_226 : memref<1x128xi32, #tpu.memory_space<vmem>> -> memref<128xi32, #tpu.memory_space<vmem>>
        %dma_wait3A_228 = arith.constant 0 : i32
        %dma_wait3A_229 = arith.constant 0 : i32
        %dma_wait3A_230 = tpu.memref_slice %arg12[%dma_wait3A_228, %dma_wait3A_229] : memref<100096x16xf32, #tpu.memory_space<vmem_shared>> -> memref<100096x16xf32, #tpu.memory_space<vmem_shared>>
        tpu.wait_indirect_dma semaphore(%run_scoped3A_212 : memref<!tpu.dma_semaphore, #tpu.memory_space<semaphore_mem>>) src(%dma_wait3A_224 : memref<128x16xf32, #tpu.memory_space<vmem>>) dst(%dma_wait3A_230 : memref<100096x16xf32, #tpu.memory_space<vmem_shared>>)
        tpu.yield
      }) : () -> ()
      %run_scoped3A_211 = arith.constant 7 : i32
      "tpu.region"() ({
        %run_scoped3A_212 = tpu.sem_alloc : memref<!tpu.dma_semaphore, #tpu.memory_space<semaphore_mem>>
        %dma_start3A_213 = arith.constant 896 : i32
        %dma_start3A_214 = arith.constant 0 : i32
        %dma_start3A_215 = tpu.memref_slice %arg11[%dma_start3A_213, %dma_start3A_214] : memref<1024x16xf32, #tpu.memory_space<vmem>> -> memref<128x16xf32, #tpu.memory_space<vmem>>
        %dma_start3A_216 = arith.constant 0 : i32
        %dma_start3A_217 = tpu.memref_slice %arg9[%run_scoped3A_211, %dma_start3A_216] : memref<8x128xi32, #tpu.memory_space<vmem>> -> memref<1x128xi32, #tpu.memory_space<vmem>>
        %dma_start3A_218 = tpu.memref_squeeze %dma_start3A_217 : memref<1x128xi32, #tpu.memory_space<vmem>> -> memref<128xi32, #tpu.memory_space<vmem>>
        %dma_start3A_219 = arith.constant 0 : i32
        %dma_start3A_220 = arith.constant 0 : i32
        %dma_start3A_221 = tpu.memref_slice %arg12[%dma_start3A_219, %dma_start3A_220] : memref<100096x16xf32, #tpu.memory_space<vmem_shared>> -> memref<100096x16xf32, #tpu.memory_space<vmem_shared>>
        tpu.enqueue_indirect_dma source(%dma_start3A_215 : memref<128x16xf32, #tpu.memory_space<vmem>>) target(%dma_start3A_221 : memref<100096x16xf32, #tpu.memory_space<vmem_shared>>) offsets(%dma_start3A_218 : memref<128xi32, #tpu.memory_space<vmem>>) semaphore(%run_scoped3A_212 : memref<!tpu.dma_semaphore, #tpu.memory_space<semaphore_mem>>) {add = true}
        %dma_wait3A_222 = arith.constant 896 : i32
        %dma_wait3A_223 = arith.constant 0 : i32
        %dma_wait3A_224 = tpu.memref_slice %arg11[%dma_wait3A_222, %dma_wait3A_223] : memref<1024x16xf32, #tpu.memory_space<vmem>> -> memref<128x16xf32, #tpu.memory_space<vmem>>
        %dma_wait3A_225 = arith.constant 0 : i32
        %dma_wait3A_226 = tpu.memref_slice %arg9[%run_scoped3A_211, %dma_wait3A_225] : memref<8x128xi32, #tpu.memory_space<vmem>> -> memref<1x128xi32, #tpu.memory_space<vmem>>
        %dma_wait3A_227 = tpu.memref_squeeze %dma_wait3A_226 : memref<1x128xi32, #tpu.memory_space<vmem>> -> memref<128xi32, #tpu.memory_space<vmem>>
        %dma_wait3A_228 = arith.constant 0 : i32
        %dma_wait3A_229 = arith.constant 0 : i32
        %dma_wait3A_230 = tpu.memref_slice %arg12[%dma_wait3A_228, %dma_wait3A_229] : memref<100096x16xf32, #tpu.memory_space<vmem_shared>> -> memref<100096x16xf32, #tpu.memory_space<vmem_shared>>
        tpu.wait_indirect_dma semaphore(%run_scoped3A_212 : memref<!tpu.dma_semaphore, #tpu.memory_space<semaphore_mem>>) src(%dma_wait3A_224 : memref<128x16xf32, #tpu.memory_space<vmem>>) dst(%dma_wait3A_230 : memref<100096x16xf32, #tpu.memory_space<vmem_shared>>)
        tpu.yield
      }) : () -> ()
    }
    %scan3A_9 = arith.constant 98 : i32
    %barrier3A_10 = arith.constant 0 : index
    tpu.barrier barrier_id(%barrier3A_10)
    %mul3A_11 = arith.constant 6256 : i32
    %mul3A_12 = arith.muli %arg1, %mul3A_11 : i32
    %mul3A_13 = arith.constant 6256 : i32
    %mul3A_14 = arith.muli %arg1, %mul3A_13 : i32
    "tpu.region"() ({
      %run_scoped3A = tpu.sem_alloc : memref<!tpu.dma_semaphore, #tpu.memory_space<semaphore_mem>>
      %dma_start3A = arith.constant 0 : i32
      %dma_start3A_15 = tpu.memref_slice %arg7[%arg0, %mul3A_14, %dma_start3A] : memref<2x100096x16xf32, #tpu.memory_space<hbm>> -> memref<1x6256x16xf32, #tpu.memory_space<hbm>>
      %dma_start3A_16 = tpu.memref_squeeze %dma_start3A_15 : memref<1x6256x16xf32, #tpu.memory_space<hbm>> -> memref<6256x16xf32, #tpu.memory_space<hbm>>
      %dma_start3A_17 = arith.constant 0 : i32
      %dma_start3A_18 = tpu.memref_slice %arg12[%mul3A_12, %dma_start3A_17] : memref<100096x16xf32, #tpu.memory_space<vmem_shared>> -> memref<6256x16xf32, #tpu.memory_space<vmem_shared>>
      tpu.enqueue_dma source(%dma_start3A_18 : memref<6256x16xf32, #tpu.memory_space<vmem_shared>>) target(%dma_start3A_16 : memref<6256x16xf32, #tpu.memory_space<hbm>>) target_semaphore(%run_scoped3A : memref<!tpu.dma_semaphore, #tpu.memory_space<semaphore_mem>>)
      %dma_wait3A = arith.constant 0 : i32
      %dma_wait3A_19 = tpu.memref_slice %arg7[%arg0, %mul3A_14, %dma_wait3A] : memref<2x100096x16xf32, #tpu.memory_space<hbm>> -> memref<1x6256x16xf32, #tpu.memory_space<hbm>>
      %dma_wait3A_20 = tpu.memref_squeeze %dma_wait3A_19 : memref<1x6256x16xf32, #tpu.memory_space<hbm>> -> memref<6256x16xf32, #tpu.memory_space<hbm>>
      %dma_wait3A_21 = arith.constant 0 : i32
      %dma_wait3A_22 = tpu.memref_slice %arg12[%mul3A_12, %dma_wait3A_21] : memref<100096x16xf32, #tpu.memory_space<vmem_shared>> -> memref<6256x16xf32, #tpu.memory_space<vmem_shared>>
      tpu.wait_dma2 semaphore(%run_scoped3A : memref<!tpu.dma_semaphore, #tpu.memory_space<semaphore_mem>>) src(%dma_wait3A_22 : memref<6256x16xf32, #tpu.memory_space<vmem_shared>>) dst(%dma_wait3A_20 : memref<6256x16xf32, #tpu.memory_space<hbm>>)
      tpu.yield
    }) : () -> ()
    return
  }
}

module attributes {stable_mosaic.version = 14 : i64} {
  func.func @_mm_body(%arg0: i32, %arg1: memref<1024x1433xf32, #tpu.memory_space<vmem>>, %arg2: memref<1433x16xf32, #tpu.memory_space<vmem>>, %arg3: memref<1024x16xf32, #tpu.memory_space<vmem>>) attributes {dimension_semantics = [#tpu.dimension_semantics<arbitrary>], iteration_bounds = array<i64: 98>, scalar_prefetch = 0 : i64, scratch_operands = 0 : i64, tpu.core_type = #tpu.core_type<tc>, window_params = [{transform_indices = @transform_0, window_bounds = array<i64: 1024, 1433>}, {pipeline_mode = #tpu.pipeline_mode<synchronous>, transform_indices = @transform_1, window_bounds = array<i64: 1433, 16>}, {transform_indices = @transform_2, window_bounds = array<i64: 1024, 16>}]} {
    %get3A = arith.constant 0 : index
    %get3A_0 = arith.constant 0 : index
    %get3A_1 = vector.load %arg1[%get3A, %get3A_0] : memref<1024x1433xf32, #tpu.memory_space<vmem>>, vector<1024x1433xf32>
    %get3A_2 = arith.constant 0 : index
    %get3A_3 = arith.constant 0 : index
    %get3A_4 = vector.load %arg2[%get3A_2, %get3A_3] : memref<1433x16xf32, #tpu.memory_space<vmem>>, vector<1433x16xf32>
    %dot_general3A = arith.constant dense<0.000000e+00> : vector<1024x16xf32>
    %dot_general3A_5 = tpu.matmul %get3A_1, %get3A_4, %dot_general3A {dimension_numbers = #tpu.dot_dimension_numbers<[1], [0], [0], [1], [0, 0, 1, 1], [], []>, transpose_lhs_hint = false} : vector<1024x1433xf32>, vector<1433x16xf32>, vector<1024x16xf32> -> vector<1024x16xf32>
    %swap3A = arith.constant 0 : index
    %swap3A_6 = arith.constant 0 : index
    %swap3A_7 = vector.load %arg3[%swap3A, %swap3A_6] : memref<1024x16xf32, #tpu.memory_space<vmem>>, vector<1024x16xf32>
    tpu.vector_store %arg3[%swap3A, %swap3A_6], %dot_general3A_5 {strides = array<i32>} : memref<1024x16xf32, #tpu.memory_space<vmem>>, vector<1024x16xf32>,
    return
  }
  func.func @transform_0(%arg0: i32) -> (i32, i32) {
    %c0_i32 = arith.constant 0 : i32
    %c0_i32_0 = arith.constant 0 : i32
    return %arg0, %c0_i32 : i32, i32
  }
  func.func @transform_1(%arg0: i32) -> (i32, i32) {
    %c0_i32 = arith.constant 0 : i32
    %c0_i32_0 = arith.constant 0 : i32
    %c0_i32_1 = arith.constant 0 : i32
    return %c0_i32, %c0_i32_0 : i32, i32
  }
  func.func @transform_2(%arg0: i32) -> (i32, i32) {
    %c0_i32 = arith.constant 0 : i32
    %c0_i32_0 = arith.constant 0 : i32
    return %arg0, %c0_i32 : i32, i32
  }
}

module attributes {stable_mosaic.version = 14 : i64} {
  func.func @_l1_body(%arg0: i32, %arg1: memref<2x2048x16xf32, #tpu.memory_space<vmem>>, %arg2: memref<1x16xf32, #tpu.memory_space<vmem>>, %arg3: memref<16x16xf32, #tpu.memory_space<vmem>>, %arg4: memref<2048x16xf32, #tpu.memory_space<vmem>>) attributes {dimension_semantics = [#tpu.dimension_semantics<arbitrary>], iteration_bounds = array<i64: 49>, scalar_prefetch = 0 : i64, scratch_operands = 0 : i64, tpu.core_type = #tpu.core_type<tc>, window_params = [{transform_indices = @transform_0, window_bounds = array<i64: 2, 2048, 16>}, {pipeline_mode = #tpu.pipeline_mode<synchronous>, transform_indices = @transform_1, window_bounds = array<i64: 1, 16>}, {pipeline_mode = #tpu.pipeline_mode<synchronous>, transform_indices = @transform_2, window_bounds = array<i64: 16, 16>}, {transform_indices = @transform_3, window_bounds = array<i64: 2048, 16>}]} {
    %get3A = arith.constant 0 : index
    %get3A_0 = arith.constant 0 : index
    %get3A_1 = arith.constant 0 : index
    %get3A_2 = vector.load %arg1[%get3A, %get3A_0, %get3A_1] : memref<2x2048x16xf32, #tpu.memory_space<vmem>>, vector<1x2048x16xf32>
    %get3A_3 = vector.shape_cast %get3A_2 : vector<1x2048x16xf32> to vector<2048x16xf32>
    %get3A_4 = arith.constant 1 : index
    %get3A_5 = arith.constant 0 : index
    %get3A_6 = arith.constant 0 : index
    %get3A_7 = vector.load %arg1[%get3A_4, %get3A_5, %get3A_6] : memref<2x2048x16xf32, #tpu.memory_space<vmem>>, vector<1x2048x16xf32>
    %get3A_8 = vector.shape_cast %get3A_7 : vector<1x2048x16xf32> to vector<2048x16xf32>
    %add3A = arith.addf %get3A_3, %get3A_8 : vector<2048x16xf32>
    %get3A_9 = arith.constant 0 : index
    %get3A_10 = arith.constant 0 : index
    %get3A_11 = vector.load %arg2[%get3A_9, %get3A_10] : memref<1x16xf32, #tpu.memory_space<vmem>>, vector<1x16xf32>
    %add3A_12 = vector.broadcast %get3A_11 : vector<1x16xf32> to vector<2048x16xf32>
    %add3A_13 = arith.addf %add3A, %add3A_12 : vector<2048x16xf32>
    %max3A = arith.constant 0.000000e+00 : f32
    %max3A_14 = vector.broadcast %max3A : f32 to vector<2048x16xf32>
    %max3A_15 = arith.maximumf %add3A_13, %max3A_14 : vector<2048x16xf32>
    %get3A_16 = arith.constant 0 : index
    %get3A_17 = arith.constant 0 : index
    %get3A_18 = vector.load %arg3[%get3A_16, %get3A_17] : memref<16x16xf32, #tpu.memory_space<vmem>>, vector<16x16xf32>
    %dot_general3A = arith.constant dense<0.000000e+00> : vector<2048x16xf32>
    %dot_general3A_19 = tpu.matmul %max3A_15, %get3A_18, %dot_general3A {dimension_numbers = #tpu.dot_dimension_numbers<[1], [0], [0], [1], [0, 0, 1, 1], [], []>, transpose_lhs_hint = false} : vector<2048x16xf32>, vector<16x16xf32>, vector<2048x16xf32> -> vector<2048x16xf32>
    %swap3A = arith.constant 0 : index
    %swap3A_20 = arith.constant 0 : index
    %swap3A_21 = vector.load %arg4[%swap3A, %swap3A_20] : memref<2048x16xf32, #tpu.memory_space<vmem>>, vector<2048x16xf32>
    tpu.vector_store %arg4[%swap3A, %swap3A_20], %dot_general3A_19 {strides = array<i32>} : memref<2048x16xf32, #tpu.memory_space<vmem>>, vector<2048x16xf32>,
    return
  }
  func.func @transform_0(%arg0: i32) -> (i32, i32, i32) {
    %c0_i32 = arith.constant 0 : i32
    %c0_i32_0 = arith.constant 0 : i32
    %c0_i32_1 = arith.constant 0 : i32
    return %c0_i32, %arg0, %c0_i32_0 : i32, i32, i32
  }
  func.func @transform_1(%arg0: i32) -> (i32, i32) {
    %c0_i32 = arith.constant 0 : i32
    %c0_i32_0 = arith.constant 0 : i32
    %c0_i32_1 = arith.constant 0 : i32
    return %c0_i32, %c0_i32_0 : i32, i32
  }
  func.func @transform_2(%arg0: i32) -> (i32, i32) {
    %c0_i32 = arith.constant 0 : i32
    %c0_i32_0 = arith.constant 0 : i32
    %c0_i32_1 = arith.constant 0 : i32
    return %c0_i32, %c0_i32_0 : i32, i32
  }
  func.func @transform_3(%arg0: i32) -> (i32, i32) {
    %c0_i32 = arith.constant 0 : i32
    %c0_i32_0 = arith.constant 0 : i32
    return %arg0, %c0_i32 : i32, i32
  }
}

module attributes {stable_mosaic.version = 14 : i64} {
  func.func @_l2_body(%arg0: i32, %arg1: memref<2x2048x16xf32, #tpu.memory_space<vmem>>, %arg2: memref<1x16xf32, #tpu.memory_space<vmem>>, %arg3: memref<2048x7xf32, #tpu.memory_space<vmem>>) attributes {dimension_semantics = [#tpu.dimension_semantics<arbitrary>], iteration_bounds = array<i64: 49>, scalar_prefetch = 0 : i64, scratch_operands = 0 : i64, tpu.core_type = #tpu.core_type<tc>, window_params = [{transform_indices = @transform_0, window_bounds = array<i64: 2, 2048, 16>}, {pipeline_mode = #tpu.pipeline_mode<synchronous>, transform_indices = @transform_1, window_bounds = array<i64: 1, 16>}, {transform_indices = @transform_2, window_bounds = array<i64: 2048, 7>}]} {
    %get3A = arith.constant 0 : index
    %get3A_0 = arith.constant 0 : index
    %get3A_1 = arith.constant 0 : index
    %get3A_2 = vector.load %arg1[%get3A, %get3A_0, %get3A_1] : memref<2x2048x16xf32, #tpu.memory_space<vmem>>, vector<1x2048x16xf32>
    %get3A_3 = vector.shape_cast %get3A_2 : vector<1x2048x16xf32> to vector<2048x16xf32>
    %get3A_4 = arith.constant 1 : index
    %get3A_5 = arith.constant 0 : index
    %get3A_6 = arith.constant 0 : index
    %get3A_7 = vector.load %arg1[%get3A_4, %get3A_5, %get3A_6] : memref<2x2048x16xf32, #tpu.memory_space<vmem>>, vector<1x2048x16xf32>
    %get3A_8 = vector.shape_cast %get3A_7 : vector<1x2048x16xf32> to vector<2048x16xf32>
    %add3A = arith.addf %get3A_3, %get3A_8 : vector<2048x16xf32>
    %get3A_9 = arith.constant 0 : index
    %get3A_10 = arith.constant 0 : index
    %get3A_11 = vector.load %arg2[%get3A_9, %get3A_10] : memref<1x16xf32, #tpu.memory_space<vmem>>, vector<1x16xf32>
    %add3A_12 = vector.broadcast %get3A_11 : vector<1x16xf32> to vector<2048x16xf32>
    %add3A_13 = arith.addf %add3A, %add3A_12 : vector<2048x16xf32>
    %iota3A = tpu.iota {dimensions = array<i32: 1>} : vector<2048x16xi32>
    %lt3A = arith.constant 7 : i32
    %lt3A_14 = vector.broadcast %lt3A : i32 to vector<2048x16xi32>
    %lt3A_15 = arith.cmpi slt, %iota3A, %lt3A_14 : vector<2048x16xi32>
    %jit3A = arith.constant 0xFF800000 : f32
    %broadcast_in_dim3A = vector.broadcast %jit3A : f32 to vector<2048x16xf32>
    %select_n3A = arith.select %lt3A_15, %add3A_13, %broadcast_in_dim3A : vector<2048x16xi1>, vector<2048x16xf32>
    %reduce_max3A = arith.constant dense<0xFF800000> : vector<2048xf32>
    %reduce_max3A_16 = vector.multi_reduction <maximumf>, %select_n3A, %reduce_max3A [1] : vector<2048x16xf32> to vector<2048xf32>
    %broadcast_in_dim3A_17 = vector.shape_cast %reduce_max3A_16 : vector<2048xf32> to vector<2048x1xf32>
    %sub3A = vector.broadcast %broadcast_in_dim3A_17 : vector<2048x1xf32> to vector<2048x16xf32>
    %sub3A_18 = arith.subf %add3A_13, %sub3A : vector<2048x16xf32>
    %exp3A = math.exp %sub3A_18 : vector<2048x16xf32>
    %jit3A_19 = arith.constant 0.000000e+00 : f32
    %broadcast_in_dim3A_20 = vector.broadcast %jit3A_19 : f32 to vector<2048x16xf32>
    %select_n3A_21 = arith.select %lt3A_15, %exp3A, %broadcast_in_dim3A_20 : vector<2048x16xi1>, vector<2048x16xf32>
    %reduce_sum3A = arith.constant dense<0.000000e+00> : vector<2048xf32>
    %reduce_sum3A_22 = vector.multi_reduction <add>, %select_n3A_21, %reduce_sum3A [1] : vector<2048x16xf32> to vector<2048xf32>
    %broadcast_in_dim3A_23 = vector.shape_cast %reduce_sum3A_22 : vector<2048xf32> to vector<2048x1xf32>
    %log3A = math.log %broadcast_in_dim3A_23 : vector<2048x1xf32>
    %sub3A_24 = vector.broadcast %broadcast_in_dim3A_17 : vector<2048x1xf32> to vector<2048x16xf32>
    %sub3A_25 = arith.subf %add3A_13, %sub3A_24 : vector<2048x16xf32>
    %sub3A_26 = vector.broadcast %log3A : vector<2048x1xf32> to vector<2048x16xf32>
    %sub3A_27 = arith.subf %sub3A_25, %sub3A_26 : vector<2048x16xf32>
    %slice3A = vector.extract_strided_slice %sub3A_27 {offsets = [0, 0], sizes = [2048, 7], strides = [1, 1]} : vector<2048x16xf32> to vector<2048x7xf32>
    %swap3A = arith.constant 0 : index
    %swap3A_28 = arith.constant 0 : index
    %swap3A_29 = vector.load %arg3[%swap3A, %swap3A_28] : memref<2048x7xf32, #tpu.memory_space<vmem>>, vector<2048x7xf32>
    tpu.vector_store %arg3[%swap3A, %swap3A_28], %slice3A {strides = array<i32>} : memref<2048x7xf32, #tpu.memory_space<vmem>>, vector<2048x7xf32>,
    return
  }
  func.func @transform_0(%arg0: i32) -> (i32, i32, i32) {
    %c0_i32 = arith.constant 0 : i32
    %c0_i32_0 = arith.constant 0 : i32
    %c0_i32_1 = arith.constant 0 : i32
    return %c0_i32, %arg0, %c0_i32_0 : i32, i32, i32
  }
  func.func @transform_1(%arg0: i32) -> (i32, i32) {
    %c0_i32 = arith.constant 0 : i32
    %c0_i32_0 = arith.constant 0 : i32
    %c0_i32_1 = arith.constant 0 : i32
    return %c0_i32, %c0_i32_0 : i32, i32
  }
  func.func @transform_2(%arg0: i32) -> (i32, i32) {
    %c0_i32 = arith.constant 0 : i32
    %c0_i32_0 = arith.constant 0 : i32
    return %arg0, %c0_i32 : i32, i32
  }
}

</mosaic_0001>

<sc_bundles>
// kernel: kernel.10.cloned.1.call-start
scs
__scs_entry_jumppad:
0x0: {  	(pc) =	sbr.rel $0x88, $3  }
0x1: {  	(tag) =	ssettag $0x0;
	lr =	simm.s32 $0x1  }
0x2: {  	[smem:$0x3F9A] =	sst lr;
	_ =	strace $0xD0000000  }
0x3: {  	_ = 	snop  }
0x4: {  	_ = 	snop  }
0x5: {  	_ = 	snop  }
0x6: {  	_ = 	snop  }
0x7: {  	_ = 	snop  }
__scs_overlays_trampoline_lowered:
0x8: {  	[smem:$0x3FA9] =	sst s0  }
0x9: {  	[smem:$0x3FAA] =	sst s1  }
0xa: {  	[smem:$0x3FAB] =	sst s2  }
0xb: {  	[smem:$0x3FAC] =	sst s3  }
0xc: {  	[smem:$0x3FAD] =	sst s4  }
0xd: {  	[smem:$0x3FAE] =	sst s5  }
0xe: {  	[smem:$0x3FAF] =	sst s6  }
0xf: {  	[smem:$0x3FB0] =	sst s7  }
0x10: {  	[smem:$0x3FB1] =	sst s8  }
0x11: {  	[smem:$0x3FB2] =	sst s9;
	s0 =	simm.s32 @!p0 $0x0  }
0x12: {  	s1 =	sld [smem:$0x3F98];
	s0 =	simm.s32 @p0 $0x1  }
0x13: {  	[smem:$0x3FB3] =	sst s0;
	s0 =	simm.s32 @!p1 $0x0  }
0x14: {  	s2 =	sld [smem:$0x3F97];
	s0 =	simm.s32 @p1 $0x1  }
0x15: {  	[smem:$0x3FB4] =	sst s0;
	s0 =	simm.s32 @!p2 $0x0  }
0x16: {  	s3 =	sld [smem:$0x3FDB];
	s0 =	simm.s32 @p2 $0x1  }
0x17: {  	s4 =	simm.s32 $0x1BF5;
	[smem:$0x3FB6] =	sst s0  }
0x18: {  	s0 =	sld [smem:$0x3F99];
	_ =	swait.ge [sflag:s4], $0x0  }
0x19: {  	s7 =	sld [smem:$0x3F9A]  }
0x1a: {  	s8 =	sadd.s32 $0xFFFFE003, lr  }
0x1b: {  	s9 =	sadd.s32 $0xFFFFFEF7, lr;
	s5 =	simm.s32 $0xFFFFFFFF;
	p2 =	slt.u32 s8, $0xFFFFF086  }
0x1c: {  	p1 =	slt.u32 s9, $0xF7A;
	s5 =	simm.s32 @!p2 $0x0  }
0x1d: {  	s5 =	simm.s32 @p1 $0x1;
	p0 =	seq.s32 s7, s2  }
0x1e: {  	s7 =	smul.u32 @!p0 $0xF7A, s2;
	p2 =	seq.s32 @!p0 s5, $0x0  }
0x1f: {  	s9 =	smul.u32 $0xF7A, s1;
	s8 =	simm.s32 @!p0 $0x1BF5;
	p2 =	por !p2, p0  }
0x20: {  	[sflag:s8] =	ssyncset.s32 @!p0 $0xFFFFF086;
	s6 =	sadd.s32 @!p0 s3, s7;
	s7 =	simm.s32 @!p0 $0x108  }
0x21: {  	s3 =	sadd.s32 s3, s9;
	s6 =	sadd.s32 @!p0 $0x88, s6;
	s7 =	simm.s32 @p2 $0x1082  }
0x22: {  	[simem:s7], [sflag:s8] =	dma.local @!p0 [hbm:s6], $0xF7A  }
0x23: {  	s9 =	sor.u32 $0xD0000000, s2;
	s6 =	simm.s32 $0x108;
	_ =	swait.ge @!p0 [sflag:s8], $0x0  }
0x24: {  	s3 =	sadd.s32 $0x88, s3;
	s6 =	simm.s32 @!p1 $0x1082;
	[sflag:s4] =	ssyncset.s32 $0xFFFFF086  }
0x25: {  	[simem:s6], [sflag:s4] =	dma.local [hbm:s3], $0xF7A  }
0x26: {  	[smem:$0x3F9A] =	sst s1;
	(tag) =	ssettag s2;
	_ =	strace s9  }
0x27: {  	s1 =	sld [smem:$0x3FAA]  }
0x28: {  	s2 =	sld [smem:$0x3FAB]  }
0x29: {  	s4 =	sld [smem:$0x3FAD]  }
0x2a: {  	p0 =	seq.s32 s5, $0x0;
	s5 =	sld [smem:$0x3FAE]  }
0x2b: {  	s6 =	sld [smem:$0x3FAF]  }
0x2c: {  	s7 =	sld [smem:$0x3FB0]  }
0x2d: {  	s3 =	simm.s32 $0x108;
	s8 =	sld [smem:$0x3FB1]  }
0x2e: {  	s3 =	simm.s32 @!p0 $0x1082;
	s9 =	sld [smem:$0x3FB2]  }
0x2f: {  	lr =	sadd.s32 s0, s3;
	s0 =	sld [smem:$0x3FA9]  }
0x30: {  	s3 =	sld [smem:$0x3FAC]  }
0x31: {  	[smem:$0x3FB5] =	sst s10  }
0x32: {  	s10 =	sld [smem:$0x3FB3];
	_ =	sdelay $0x3  }
0x33: {  	p0 =	seq.s32 s10, $0x1;
	s10 =	sld [smem:$0x3FB5];
	_ =	sdelay $0x3  }
0x34: {  	[smem:$0x3FB5] =	sst s10  }
0x35: {  	s10 =	sld [smem:$0x3FB4];
	_ =	sdelay $0x3  }
0x36: {  	p1 =	seq.s32 s10, $0x1;
	s10 =	sld [smem:$0x3FB5];
	_ =	sdelay $0x3  }
0x37: {  	[smem:$0x3FB5] =	sst s10  }
0x38: {  	s10 =	sld [smem:$0x3FB6]  }
0x39: {  	_ = 	snop;
	(pc) =	sbr.ind lr, $3  }
0x3a: {  	_ = 	snop  }
0x3b: {  	_ = 	snop  }
0x3c: {  	p2 =	seq.s32 s10, $0x1;
	s10 =	sld [smem:$0x3FB5]  }
0x3d: {  	_ =	shalt  }
0x3e: {  	_ =	shalt  }
0x3f: {  	_ =	shalt  }
0x40: {  	_ =	shalt  }
0x41: {  	_ =	shalt  }
0x42: {  	_ =	shalt  }
0x43: {  	_ =	shalt  }
0x44: {  	_ =	shalt  }
0x45: {  	_ =	shalt  }
0x46: {  	_ =	shalt  }
0x47: {  	_ =	shalt  }
0x48: {  	_ =	shalt  }
0x49: {  	_ =	shalt  }
0x4a: {  	_ =	shalt  }
0x4b: {  	_ =	shalt  }
0x4c: {  	_ =	shalt  }
0x4d: {  	_ =	shalt  }
0x4e: {  	_ =	shalt  }
0x4f: {  	_ =	shalt  }
0x50: {  	_ =	shalt  }
0x51: {  	_ =	shalt  }
0x52: {  	_ =	shalt  }
0x53: {  	_ =	shalt  }
0x54: {  	_ =	shalt  }
0x55: {  	_ =	shalt  }
0x56: {  	_ =	shalt  }
0x57: {  	_ =	shalt  }
0x58: {  	_ =	shalt  }
0x59: {  	_ =	shalt  }
0x5a: {  	_ =	shalt  }
0x5b: {  	_ =	shalt  }
0x5c: {  	_ =	shalt  }
0x5d: {  	_ =	shalt  }
0x5e: {  	_ =	shalt  }
0x5f: {  	_ =	shalt  }
0x60: {  	_ =	shalt  }
0x61: {  	_ =	shalt  }
0x62: {  	_ =	shalt  }
0x63: {  	_ =	shalt  }
0x64: {  	_ =	shalt  }
0x65: {  	_ =	shalt  }
0x66: {  	_ =	shalt  }
0x67: {  	_ =	shalt  }
0x68: {  	_ =	shalt  }
0x69: {  	_ =	shalt  }
0x6a: {  	_ =	shalt  }
0x6b: {  	_ =	shalt  }
0x6c: {  	_ =	shalt  }
0x6d: {  	_ =	shalt  }
0x6e: {  	_ =	shalt  }
0x6f: {  	_ =	shalt  }
0x70: {  	_ =	shalt  }
0x71: {  	_ =	shalt  }
0x72: {  	_ =	shalt  }
0x73: {  	_ =	shalt  }
0x74: {  	_ =	shalt  }
0x75: {  	_ =	shalt  }
0x76: {  	_ =	shalt  }
0x77: {  	_ =	shalt  }
0x78: {  	_ =	shalt  }
0x79: {  	_ =	shalt  }
0x7a: {  	_ =	shalt  }
0x7b: {  	_ =	shalt  }
0x7c: {  	_ =	shalt  }
0x7d: {  	_ =	shalt  }
0x7e: {  	_ =	shalt  }
0x7f: {  	_ =	shalt  }
0x80: {  	_ =	shalt  }
0x81: {  	_ =	shalt  }
0x82: {  	_ =	shalt  }
0x83: {  	_ =	shalt  }
0x84: {  	_ =	shalt  }
0x85: {  	_ =	shalt  }
0x86: {  	_ =	shalt  }
0x87: {  	_ =	shalt  }
.Lfunc_end0:
.L_simem_size_0:
called_computation.1_lowered:
.L_overlay_start_0:
0x88: {  	s2 =	sld [smem:$0x3FD9]  }
0x89: {  	s3 =	sld [smem:$0x3FFE];
	_ =	sdelay $0x1  }
0x8a: {  	s1 =	srdreg.scid  }
0x8b: {  	s0 =	sand.u32 $0x1, s1  }
0x8c: {  	s17 =	sshll.u32 s0, $0xA;
	s2 =	sadd.s32 s3, s2  }
0x8d: {  	s2 =	sadd.s32 s2, s17  }
0x8e: {  	[smem:$0x3FC1] =	sst s2  }
0x8f: {  	_ = 	snop  }
0x90: {  	s2 =	sld [smem:$0x3FD0];
	(tm) =	ssettm $0x1  }
0x91: {  	s18 =	sld [smem:$0x3FFB];
	_ =	sdelay $0x3  }
0x92: {  	_ =	strace s18  }
0x93: {  	s3 =	sld [smem:$0x3FFC];
	_ =	sdelay $0x3  }
0x94: {  	_ =	strace s3  }
0x95: {  	s3 =	sld [smem:$0x3FFD];
	_ =	sdelay $0x3  }
0x96: {  	_ =	strace s3  }
0x97: {  	_ =	strace $0x8FFFFFFF  }
0x98: {  	s19 =	sld [smem:$0x3FDB];
	_ =	sdelay $0x1  }
0x99: {  	s4 =	simm.s32 $_scs_section_size  }
0x9a: {  	s5 =	simm.s32 $_size__tile_overlayer_lowered;
	s6 =	simm.s32 $_tile_overlayer_lowered  }
0x9b: {  	s22 =	simm.s32 $0x1BFF;
	s21 =	sshll.u32 s6, $0x1;
	s3 =	sadd.s32 s4, s19  }
0x9c: {  	s7 =	simm.s32 $0x0;
	s20 =	sshll.u32 s5, $0x1;
	s5 =	sadd.s32 s21, s3  }
0x9d: {  	[timem:s7], [sflag:s22] =	dma.local [hbm:s5], s20  }
0x9e: {  	_ =	swait.ge [sflag:s22], s20  }
0x9f: {  	s4 =	ssub.s32 $0x0, s20;
	[sflag:s22] =	ssyncset.done $0x0  }
0xa0: {  	[sflag:s22] =	ssyncadd.s32 s4;
	_ =	sdelay $0x1  }
0xa1: {  	s23 =	simm.s32 $0x1B8B  }
0xa2: {  	_ =	swait.ge [sflag:s23], $0x1  }
0xa3: {  	[sflag:s23] =	ssyncset.done $0x0  }
0xa4: {  	s25 =	simm.s32 $0x1B8E;
	s24 =	sld [smem:$0x3FFE];
	[sflag:s23] =	ssyncadd.s32 $0xFFFFFFFF  }
0xa5: {  	s26 =	simm.s32 $execute0_lowered;
	[smem:$0x3FD2] =	sst s25  }
0xa6: {  	s5 =	sshll.u32 s26, $0x1;
	_ =	strace $0x80000049;
	[dreg:$0x1] =	wrdreg $0xFFFFFFFF  }
0xa7: {  	s28 =	simm.s32 $_size_execute0_lowered;
	s3 =	sadd.s32 s3, s5;
	[dreg:$0x0] =	wrdreg $0x0  }
0xa8: {  	s5 =	sshll.u32 s28, $0x1;
	[dreg:$0x2] =	wrdreg s3  }
0xa9: {  	[dreg:$0x3] =	wrdreg s5  }
0xaa: {  	[dreg:$0x4] =	wrdreg $0xC0  }
0xab: {  	_ =	task [dreg:s7], $0x5FFFF  }
0xac: {  	[dreg:$0x1] =	wrdreg $0xFFFFFFFF  }
0xad: {  	[dreg:$0x0] =	wrdreg $0x60  }
0xae: {  	[dreg:$0x2] =	wrdreg s24  }
0xaf: {  	[dreg:$0x3] =	wrdreg s2  }
0xb0: {  	[dreg:$0x4] =	wrdreg $0x4C000  }
0xb1: {  	[dreg:$0x5] =	wrdreg $0x9  }
0xb2: {  	_ =	task.clear_ibuf [dreg:s7], $0x6FFFF;
	_ =	strace $0x90000049  }
0xb3: {  	s29 =	simm.s32 $0x9;
	_ =	strace $0x8000004B  }
0xb4: {  	_ =	swait.ge [sflag:s29], $0x1  }
0xb5: {  	[sflag:s29] =	ssyncadd.s32 $0xFFFFFFFF  }
0xb6: {  	_ =	strace $0x9000004B  }
0xb7: {  	_ =	sfence  }
0xb8: {  	s30 =	sld [smem:$0x0];
	_ =	sdelay $0x2  }
0xb9: {  	s31 =	sshll.u32 s1, $0xD;
	s1 =	sshrl.u32 s1, $0x2  }
0xba: {  	s3 =	sand.u32 $0x4000, s31;
	s1 =	sadd.s32 s1, s30  }
0xbb: {  	s0 =	sor.u32 s3, s0;
	s1 =	sshll.u32 s1, $0x11  }
0xbc: {  	s0 =	sor.u32 s1, s0  }
0xbd: {  	s0 =	sadd.s32 $0x8F2B, s0  }
0xbe: {  	[sflag:s0] =	ssyncadd.remote.s32 $0x1  }
0xbf: {  	_ =	sfence.sel $0xFFFF  }
0xc0: {  	[dreg:$0x0] =	wrdreg $0xFFFFFFFF;
	(pc) =	sbr.abs _section_cstart, $3  }
0xc1: {  	[dreg:$0x1] =	wrdreg $0xFFFFFFFF  }
0xc2: {  	_ =	task.clear_ibuf [dreg:s7], $0x2FFFF;
	_ =	strace $0x9FFFFFFF  }
0xc3: {  	(tm) =	ssettm $0x7FFFFFFF  }
tec
execute0_lowered:
.L_overlay_start_1:
0x0: {  	(tag) =	ssettag $0x1  }
0x1: {  	s0 =	rddreg [dreg:$0x0]  }
0x2: {  	s3 =	rddreg [dreg:$0x2]  }
0x3: {  	s1 =	srdreg.scid;
	s10 =	stileid.u32;
	s11 =	simm.s32 $0x0  }
0x4: {  	s14 =	simm.s32 $0x3;
	s15 =	simm.s32 $0x400;
	s16 =	simm.s32 $0x800  }
0x5: {  	s17 =	simm.s32 $0x1;
	s18 =	simm.s32 $0x80;
	s19 =	simm.s32 $0xC00  }
0x6: {  	s20 =	simm.s32 $0x1400;
	s22 =	simm.s32 $0x1C00;
	s24 =	simm.s32 $0x2400  }
0x7: {  	s29 =	simm.s32 $0x3400;
	s31 =	simm.s32 $0x3C00;
	s12 =	simm.s32 $0x500  }
0x8: {  	s13 =	simm.s32 $0x600;
	s21 =	simm.s32 $0x700;
	s23 =	simm.s32 $0x780  }
0x9: {  	s1 =	sand.u32 $0x1, s1;
	s2 =	smul.u32 $0x18700, s10;
	[smem:$0x7FF] =	sst s11  }
0xa: {  	s5 =	sadd.s32 $0x1400, s0;
	s6 =	sadd.s32 $0x63400, s0;
	s7 =	sadd.s32 $0xF6200, s0  }
0xb: {  	s8 =	sadd.s32 $0xC5400, s0;
	s26 =	sshll.u32 s10, $0x6;
	s4 =	smul.u32 $0x187000, s1  }
0xc: {  	_ =	strace $0x8000004A;
	s9 =	ssub.s32 $0x2, s1;
	s1 =	sshll.u32 s1, $0x4  }
0xd: {  	s25 =	sshrl.u32 s9, $0x1;
	s1 =	sor.u32 s10, s1;
	s4 =	sadd.s32 s2, s4  }
0xe: {  	s2 =	sadd.s32 s2, s3;
	s10 =	smul.u32 $0x18800, s1;
	s4 =	sshrl.u32 s4, $0x3  }
0xf: {  	s1 =	simm.s32 $0x4400;
	s28 =	sshrl.u32 s2, $0x3;
	s0 =	sadd.s32 s4, s0  }
0x10: {  	s4 =	ssub.s32 s9, s25;
	s25 =	sor.u32 $0x1C03, s26;
	[dreg:$0x8] =	wrdreg s28  }
0x11: {  	s2 =	simm.s32 $0x2;
	s0 =	sadd.s32 $0x158200, s0;
	[dreg:$0x5] =	wrdreg s25  }
0x12: {  	s26 =	simm.s32 $0x2C00;
	s30 =	smax.u32 s4, $0x1;
	[dreg:$0x6] =	wrdreg s0  }
0x13: {  	v0 =	vlaneseq.u32;
	s9 =	simm.s32 $0x580;
	s4 =	simm.s32 $0x680;
	[dreg:$0x7] =	wrdreg s30  }
.LBB2_1:
0x14: {  	[dreg:$0x4] =	wrdreg s11  }
0x15: {  	s0 =	rddreg [dreg:$0x1]  }
0x16: {  	[spmem:s28], [sflag:s25] =	dma.local [hbm:s0], $0x30E0  }
0x17: {  	_ =	swait.ge [sflag:s14], $0x30E0  }
0x18: {  	[sflag:s14] =	ssyncset.done $0x0  }
0x19: {  	[sflag:s14] =	ssyncadd.s32 $0xFFFFCF20  }
0x1a: {  	s25 =	simm.s32 $0x0;
	[bflag:$0x0] =	sbarrier.arrive $0xFFFF  }
.LBB2_2:
0x1b: {  	s28 =	sshll.u32 s25, $0xA  }
0x1c: {  	s28 =	sadd.s32 s10, s28  }
0x1d: {  	s28 =	sshrl.u32 s28, $0x3  }
0x1e: {  	s0 =	simm.s32 $0x0;
	s30 =	sadd.s32 s5, s28  }
0x1f: {  	[tilespmem:s0], [sflag:$0x1] =	stream.linear.gather [hbm4b:s30+s0], $0x400, $0x38;
	[tilespmem:$0x1D300] =	vst v63  }
0x20: {  	s30 =	sadd.s32 s6, s28  }
0x21: {  	[tilespmem:s15], [sflag:$0x1] =	stream.linear.gather [hbm4b:s30+s0], $0x400, $0x38;
	[tilespmem:$0x1D300] =	vst v63  }
0x22: {  	s28 =	sadd.s32 s7, s28  }
0x23: {  	[tilespmem:s16], [sflag:$0x1] =	stream.linear.gather [hbm4b:s28+s0], $0x400, $0x38;
	[tilespmem:$0x1D300] =	vst v63  }
0x24: {  	_ =	swait.ge [sflag:s17], $0x400  }
0x25: {  	[sflag:s17] =	ssyncset.done $0x0  }
0x26: {  	[sflag:s17] =	ssyncadd.s32 $0xFFFFFC00  }
0x27: {  	_ =	swait.ge [sflag:s17], $0x400  }
0x28: {  	[sflag:s17] =	ssyncset.done $0x0  }
0x29: {  	[sflag:s17] =	ssyncadd.s32 $0xFFFFFC00  }
0x2a: {  	_ =	swait.ge [sflag:s17], $0x400  }
0x2b: {  	[sflag:s17] =	ssyncset.done $0x0  }
0x2c: {  	[sflag:s17] =	ssyncadd.s32 $0xFFFFFC00  }
0x2d: {  	[tilespmem:s19], [sflag:$0x2] =	stream.indirect.gather [hbm4b:s8+s18], $0x10, s0, s18, $0xb8;
	[tilespmem:$0x1D300] =	vst v63  }
0x2e: {  	_ = 	snop  }
0x2f: {  	[tilespmem:s20], [sflag:$0x2] =	stream.indirect.gather [hbm4b:s8+s18], $0x10, s18, s18, $0xb8;
	[tilespmem:$0x1D300] =	vst v63  }
0x30: {  	s11 =	simm.s32 $0x100  }
0x31: {  	[tilespmem:s22], [sflag:$0x2] =	stream.indirect.gather [hbm4b:s8+s18], $0x10, s11, s18, $0xb8;
	[tilespmem:$0x1D300] =	vst v63  }
0x32: {  	s11 =	simm.s32 $0x180  }
0x33: {  	[tilespmem:s24], [sflag:$0x2] =	stream.indirect.gather [hbm4b:s8+s18], $0x10, s11, s18, $0xb8;
	[tilespmem:$0x1D300] =	vst v63  }
0x34: {  	s11 =	simm.s32 $0x200  }
0x35: {  	[tilespmem:s26], [sflag:$0x2] =	stream.indirect.gather [hbm4b:s8+s18], $0x10, s11, s18, $0xb8;
	[tilespmem:$0x1D300] =	vst v63  }
0x36: {  	s11 =	simm.s32 $0x280  }
0x37: {  	[tilespmem:s29], [sflag:$0x2] =	stream.indirect.gather [hbm4b:s8+s18], $0x10, s11, s18, $0xb8;
	[tilespmem:$0x1D300] =	vst v63  }
0x38: {  	s11 =	simm.s32 $0x300  }
0x39: {  	[tilespmem:s31], [sflag:$0x2] =	stream.indirect.gather [hbm4b:s8+s18], $0x10, s11, s18, $0xb8;
	[tilespmem:$0x1D300] =	vst v63  }
0x3a: {  	s11 =	simm.s32 $0x380  }
0x3b: {  	[tilespmem:s1], [sflag:$0x2] =	stream.indirect.gather [hbm4b:s8+s18], $0x10, s11, s18, $0xb8;
	[tilespmem:$0x1D300] =	vst v63  }
0x3c: {  	_ =	swait.ge [sflag:s2], $0x800  }
0x3d: {  	[sflag:s2] =	ssyncset.done $0x0  }
0x3e: {  	[sflag:s2] =	ssyncadd.s32 $0xFFFFF800  }
0x3f: {  	_ =	swait.ge [sflag:s2], $0x800  }
0x40: {  	[sflag:s2] =	ssyncset.done $0x0  }
0x41: {  	[sflag:s2] =	ssyncadd.s32 $0xFFFFF800  }
0x42: {  	_ =	swait.ge [sflag:s2], $0x800  }
0x43: {  	[sflag:s2] =	ssyncset.done $0x0  }
0x44: {  	[sflag:s2] =	ssyncadd.s32 $0xFFFFF800  }
0x45: {  	_ =	swait.ge [sflag:s2], $0x800  }
0x46: {  	[sflag:s2] =	ssyncset.done $0x0  }
0x47: {  	[sflag:s2] =	ssyncadd.s32 $0xFFFFF800  }
0x48: {  	_ =	swait.ge [sflag:s2], $0x800  }
0x49: {  	[sflag:s2] =	ssyncset.done $0x0  }
0x4a: {  	[sflag:s2] =	ssyncadd.s32 $0xFFFFF800  }
0x4b: {  	_ =	swait.ge [sflag:s2], $0x800  }
0x4c: {  	[sflag:s2] =	ssyncset.done $0x0  }
0x4d: {  	[sflag:s2] =	ssyncadd.s32 $0xFFFFF800  }
0x4e: {  	v1 =	vmov s0;
	_ =	swait.ge [sflag:s2], $0x800  }
0x4f: {  	v2 =	vshll.u32 v1, $0x4;
	[sflag:s2] =	ssyncset.done $0x0  }
0x50: {  	v2 =	vor.u32 v0, v2;
	[sflag:s2] =	ssyncadd.s32 $0xFFFFF800  }
0x51: {  	_ =	swait.ge [sflag:s2], $0x800  }
0x52: {  	[sflag:s2] =	ssyncset.done $0x0  }
0x53: {  	[sflag:s2] =	ssyncadd.s32 $0xFFFFF800  }
0x54: {  	v1 =	vld.idx.msk [tilespmem:v1+s16+$0x0], $0xffff  }
0x55: {  	v3 =	vld.idx.msk [tilespmem:v2+s19+$0x0], $0xffff  }
0x56: {  	s11 =	simm.s32 $0x1  }
0x57: {  	v4 =	vmov s11  }
0x58: {  	v5 =	vshll.u32 v4, $0x4  }
0x59: {  	v5 =	vor.u32 v0, v5  }
0x5a: {  	v1 =	vmul.f32 v3, v1;
	_ =	sdelay $0x1  }
0x5b: {  	[tilespmem:v2+s19+$0x0] =	vst.idx.msk $0xffff, v1  }
0x5c: {  	v1 =	vld.idx.msk [tilespmem:v4+s16+$0x0], $0xffff  }
0x5d: {  	v2 =	vld.idx.msk [tilespmem:v5+s19+$0x0], $0xffff  }
0x5e: {  	s11 =	simm.s32 $0x2  }
0x5f: {  	v3 =	vmov s11  }
0x60: {  	v4 =	vshll.u32 v3, $0x4  }
0x61: {  	v4 =	vor.u32 v0, v4  }
0x62: {  	v1 =	vmul.f32 v2, v1;
	_ =	sdelay $0x1  }
0x63: {  	[tilespmem:v5+s19+$0x0] =	vst.idx.msk $0xffff, v1  }
0x64: {  	v2 =	vld.idx.msk [tilespmem:v3+s16+$0x0], $0xffff  }
0x65: {  	v3 =	vld.idx.msk [tilespmem:v4+s19+$0x0], $0xffff  }
0x66: {  	s11 =	simm.s32 $0x3  }
0x67: {  	v5 =	vmov s11  }
0x68: {  	v1 =	vshll.u32 v5, $0x4  }
0x69: {  	v1 =	vor.u32 v0, v1  }
0x6a: {  	v2 =	vmul.f32 v3, v2;
	_ =	sdelay $0x1  }
0x6b: {  	[tilespmem:v4+s19+$0x0] =	vst.idx.msk $0xffff, v2  }
0x6c: {  	v2 =	vld.idx.msk [tilespmem:v5+s16+$0x0], $0xffff  }
0x6d: {  	v4 =	vld.idx.msk [tilespmem:v1+s19+$0x0], $0xffff  }
0x6e: {  	s28 =	simm.s32 $0x4  }
0x6f: {  	v3 =	vmov s28  }
0x70: {  	s30 =	simm.s32 $0x8;
	v5 =	vshll.u32 v3, $0x4  }
.LBB2_3:
0x71: {  	p0 =	slt.u32 s30, $0x3FC;
	v5 =	vor.u32 v0, v5;
	s0 =	smov.u32 s30;
	s30 =	sadd.s32 $0x4, s30  }
0x72: {  	v2 =	vmul.f32 v4, v2;
	_ =	sdelay $0x1  }
0x73: {  	[tilespmem:v1+s19+$0x0] =	vst.idx.msk $0xffff, v2  }
0x74: {  	v1 =	vld.idx.msk [tilespmem:v3+s16+$0x0], $0xffff  }
0x75: {  	v2 =	vld.idx.msk [tilespmem:v5+s19+$0x0], $0xffff  }
0x76: {  	s11 =	sadd.s32 $0x1, s28  }
0x77: {  	v3 =	vmov s11  }
0x78: {  	v4 =	vshll.u32 v3, $0x4  }
0x79: {  	v4 =	vor.u32 v0, v4;
	_ =	sdelay $0x1  }
0x7a: {  	v1 =	vmul.f32 v2, v1;
	_ =	sdelay $0x1  }
0x7b: {  	[tilespmem:v5+s19+$0x0] =	vst.idx.msk $0xffff, v1  }
0x7c: {  	v1 =	vld.idx.msk [tilespmem:v3+s16+$0x0], $0xffff  }
0x7d: {  	v2 =	vld.idx.msk [tilespmem:v4+s19+$0x0], $0xffff  }
0x7e: {  	s11 =	sadd.s32 $0x2, s28  }
0x7f: {  	v3 =	vmov s11  }
0x80: {  	v5 =	vshll.u32 v3, $0x4  }
0x81: {  	v5 =	vor.u32 v0, v5;
	_ =	sdelay $0x1  }
0x82: {  	v1 =	vmul.f32 v2, v1;
	_ =	sdelay $0x1  }
0x83: {  	[tilespmem:v4+s19+$0x0] =	vst.idx.msk $0xffff, v1  }
0x84: {  	v2 =	vld.idx.msk [tilespmem:v3+s16+$0x0], $0xffff  }
0x85: {  	v3 =	vld.idx.msk [tilespmem:v5+s19+$0x0], $0xffff  }
0x86: {  	s11 =	sadd.s32 $0x3, s28;
	s28 =	smov.u32 s0  }
0x87: {  	v4 =	vmov s11  }
0x88: {  	v1 =	vshll.u32 v4, $0x4  }
0x89: {  	v1 =	vor.u32 v0, v1;
	_ =	sdelay $0x1  }
0x8a: {  	v2 =	vmul.f32 v3, v2;
	_ =	sdelay $0x1  }
0x8b: {  	[tilespmem:v5+s19+$0x0] =	vst.idx.msk $0xffff, v2  }
0x8c: {  	v2 =	vld.idx.msk [tilespmem:v4+s16+$0x0], $0xffff  }
.Ltmp0:
0x8d: {  	v4 =	vld.idx.msk [tilespmem:v1+s19+$0x0], $0xffff;
	(pc) =	sbr.rel @p0 .LBB2_3-.Ltmp0, $3  }
0x8e: {  	_ =	sdelay $0x1  }
0x8f: {  	v3 =	vmov s28  }
0x90: {  	v5 =	vshll.u32 v3, $0x4  }
0x91: {  	_ = 	snop  }
0x92: {  	v5 =	vor.u32 v0, v5  }
0x93: {  	v2 =	vmul.f32 v4, v2;
	_ =	sdelay $0x1  }
0x94: {  	[tilespmem:v1+s19+$0x0] =	vst.idx.msk $0xffff, v2  }
0x95: {  	v1 =	vld.idx.msk [tilespmem:v3+s16+$0x0], $0xffff  }
0x96: {  	v2 =	vld.idx.msk [tilespmem:v5+s19+$0x0], $0xffff  }
0x97: {  	s0 =	sadd.s32 $0x1, s28  }
0x98: {  	v3 =	vmov s0  }
0x99: {  	v61 =	vshll.u32 v3, $0x4  }
0x9a: {  	v4 =	vor.u32 v0, v61  }
0x9b: {  	v1 =	vmul.f32 v2, v1;
	_ =	sdelay $0x1  }
0x9c: {  	[tilespmem:v5+s19+$0x0] =	vst.idx.msk $0xffff, v1  }
0x9d: {  	v1 =	vld.idx.msk [tilespmem:v3+s16+$0x0], $0xffff  }
0x9e: {  	v2 =	vld.idx.msk [tilespmem:v4+s19+$0x0], $0xffff  }
0x9f: {  	s11 =	sadd.s32 $0x2, s28  }
0xa0: {  	v3 =	vmov s11  }
0xa1: {  	v62 =	vshll.u32 v3, $0x4  }
0xa2: {  	v5 =	vor.u32 v0, v62  }
0xa3: {  	v1 =	vmul.f32 v2, v1;
	_ =	sdelay $0x1  }
0xa4: {  	[tilespmem:v4+s19+$0x0] =	vst.idx.msk $0xffff, v1  }
0xa5: {  	v1 =	vld.idx.msk [tilespmem:v3+s16+$0x0], $0xffff  }
0xa6: {  	v2 =	vld.idx.msk [tilespmem:v5+s19+$0x0], $0xffff  }
0xa7: {  	s28 =	sadd.s32 $0x3, s28  }
0xa8: {  	v3 =	vmov s28  }
0xa9: {  	v63 =	vshll.u32 v3, $0x4  }
0xaa: {  	v4 =	vor.u32 v0, v63  }
0xab: {  	v1 =	vmul.f32 v2, v1;
	_ =	sdelay $0x1  }
0xac: {  	[tilespmem:v5+s19+$0x0] =	vst.idx.msk $0xffff, v1  }
0xad: {  	v1 =	vld.idx.msk [tilespmem:v3+s16+$0x0], $0xffff  }
0xae: {  	v2 =	vld.idx.msk [tilespmem:v4+s19+$0x0], $0xffff;
	_ =	sdelay $0x4  }
0xaf: {  	v1 =	vmul.f32 v2, v1;
	_ =	sdelay $0x1  }
0xb0: {  	[tilespmem:v4+s19+$0x0] =	vst.idx.msk $0xffff, v1  }
0xb1: {  	[spmem:s3] =	stream.indirect.scatter.add.f32 [tilespmem:s19], [sflag:$0x3], $0x10, s15, s18, $0xb8;
	[tilespmem:$0x1D300] =	vst v63  }
0xb2: {  	_ =	swait.ge [sflag:s14], $0x800  }
0xb3: {  	[sflag:s14] =	ssyncset.done $0x0  }
0xb4: {  	s30 =	simm.s32 $0x480;
	[sflag:s14] =	ssyncadd.s32 $0xFFFFF800  }
0xb5: {  	[spmem:s3] =	stream.indirect.scatter.add.f32 [tilespmem:s20], [sflag:$0x3], $0x10, s30, s18, $0xb8;
	[tilespmem:$0x1D300] =	vst v63  }
0xb6: {  	_ =	swait.ge [sflag:s14], $0x800  }
0xb7: {  	[sflag:s14] =	ssyncset.done $0x0  }
0xb8: {  	[sflag:s14] =	ssyncadd.s32 $0xFFFFF800  }
0xb9: {  	[spmem:s3] =	stream.indirect.scatter.add.f32 [tilespmem:s22], [sflag:$0x3], $0x10, s12, s18, $0xb8;
	[tilespmem:$0x1D300] =	vst v63  }
0xba: {  	_ =	swait.ge [sflag:s14], $0x800  }
0xbb: {  	[sflag:s14] =	ssyncset.done $0x0  }
0xbc: {  	[sflag:s14] =	ssyncadd.s32 $0xFFFFF800  }
0xbd: {  	[spmem:s3] =	stream.indirect.scatter.add.f32 [tilespmem:s24], [sflag:$0x3], $0x10, s9, s18, $0xb8;
	[tilespmem:$0x1D300] =	vst v63  }
0xbe: {  	_ =	swait.ge [sflag:s14], $0x800  }
0xbf: {  	[sflag:s14] =	ssyncset.done $0x0  }
0xc0: {  	[sflag:s14] =	ssyncadd.s32 $0xFFFFF800  }
0xc1: {  	[spmem:s3] =	stream.indirect.scatter.add.f32 [tilespmem:s26], [sflag:$0x3], $0x10, s13, s18, $0xb8;
	[tilespmem:$0x1D300] =	vst v63  }
0xc2: {  	_ =	swait.ge [sflag:s14], $0x800  }
0xc3: {  	[sflag:s14] =	ssyncset.done $0x0  }
0xc4: {  	[sflag:s14] =	ssyncadd.s32 $0xFFFFF800  }
0xc5: {  	[spmem:s3] =	stream.indirect.scatter.add.f32 [tilespmem:s29], [sflag:$0x3], $0x10, s4, s18, $0xb8;
	[tilespmem:$0x1D300] =	vst v63  }
0xc6: {  	_ =	swait.ge [sflag:s14], $0x800  }
0xc7: {  	[sflag:s14] =	ssyncset.done $0x0  }
0xc8: {  	[sflag:s14] =	ssyncadd.s32 $0xFFFFF800  }
0xc9: {  	[spmem:s3] =	stream.indirect.scatter.add.f32 [tilespmem:s31], [sflag:$0x3], $0x10, s21, s18, $0xb8;
	[tilespmem:$0x1D300] =	vst v63  }
0xca: {  	s25 =	sadd.s32 $0x1, s25;
	_ =	swait.ge [sflag:s14], $0x800  }
0xcb: {  	p0 =	sne.s32 s25, $0x62;
	[sflag:s14] =	ssyncset.done $0x0  }
.Ltmp1:
0xcc: {  	[sflag:s14] =	ssyncadd.s32 $0xFFFFF800;
	(pc) =	sbr.rel @p0 .LBB2_2-.Ltmp1, $4  }
0xcd: {  	[spmem:s3] =	stream.indirect.scatter.add.f32 [tilespmem:s1], [sflag:$0x3], $0x10, s23, s18, $0xb8;
	[tilespmem:$0x1D300] =	vst v63  }
0xce: {  	_ =	swait.ge [sflag:s14], $0x800  }
0xcf: {  	[sflag:s14] =	ssyncset.done $0x0  }
0xd0: {  	[sflag:s14] =	ssyncadd.s32 $0xFFFFF800  }
0xd1: {  	[bflag:$0x0] =	sbarrier.arrive $0xFFFF  }
0xd2: {  	s25 =	rddreg [dreg:$0x5]  }
0xd3: {  	s0 =	rddreg [dreg:$0x6]  }
0xd4: {  	s28 =	rddreg [dreg:$0x8]  }
0xd5: {  	[hbm:s0], [sflag:s25] =	dma.local [spmem:s28], $0x30E0  }
0xd6: {  	_ =	swait.ge [sflag:s14], $0x30E0  }
0xd7: {  	s11 =	rddreg [dreg:$0x4]  }
0xd8: {  	s30 =	rddreg [dreg:$0x7];
	s11 =	sadd.s32 $0x1, s11  }
0xd9: {  	p0 =	sne.s32 s11, s30  }
.Ltmp2:
0xda: {  	_ = 	snop;
	(pc) =	sbr.rel @p0 .LBB2_1-.Ltmp2, $3  }
0xdb: {  	_ =	sdelay $0x1  }
0xdc: {  	[sflag:s14] =	ssyncset.done $0x0  }
0xdd: {  	[sflag:s14] =	ssyncadd.s32 $0xFFFFCF20  }
0xde: {  	_ =	sfence.sel $0x180000  }
0xdf: {  	[bflag:$0x0] =	sbarrier.arrive $0xFFFF  }
0xe0: {  	_ =	strace $0x9000004A  }
0xe1: {  	s0 =	stileid.u32;
	[bflag:$0x2] =	sbarrier.arrive $0xFFFF  }
0xe2: {  	p0 =	sne.s32 s0, $0x0;
	s0 =	rddreg [dreg:$0x3]  }
0xe3: {  	s0 =	sadd.s32 @!p0 $0x100000, s0  }
0xe4: {  	[sflag:s0] =	ssyncadd.tile.s32 @!p0 $0x1;
	_ =	shalt  }
.Lfunc_end2:
_tile_overlayer_lowered:
.L_overlay_start_2:
0xe5: {  	(tag) =	ssettag $0x2  }
0xe6: {  	s0 =	rddreg [dreg:$0x0];
	s2 =	stileid.u32  }
0xe7: {  	s1 =	rddreg [dreg:$0x1];
	p0 =	sne.s32 s2, $0x0  }
0xe8: {  	s3 =	rddreg [dreg:$0x2];
	[bflag:$0x3] =	sbarrier.arrive $0xFFFF;
	s2 =	simm.s32 @!p0 $0x1C03  }
0xe9: {  	[timem:s3], [sflag:s2] =	dma.local @!p0 [hbm:s0], s1  }
0xea: {  	s0 =	simm.s32 @!p0 $0x3  }
0xeb: {  	_ =	swait.ge @!p0 [sflag:s0], s1  }
0xec: {  	s1 =	ssub.s32 @!p0 $0x0, s1;
	[sflag:s0] =	ssyncset.done @!p0 $0x0  }
0xed: {  	[sflag:s0] =	ssyncadd.s32 @!p0 s1  }
0xee: {  	[bflag:$0x3] =	sbarrier.arrive $0xFFFF  }
0xef: {  	_ =	shalt  }

// kernel: kernel.7.cloned.1.call-start
scs
__scs_entry_jumppad:
0x0: {  	(pc) =	sbr.rel $0x88, $3  }
0x1: {  	(tag) =	ssettag $0x0;
	lr =	simm.s32 $0x1  }
0x2: {  	[smem:$0x3F9A] =	sst lr;
	_ =	strace $0xD0000000  }
0x3: {  	_ = 	snop  }
0x4: {  	_ = 	snop  }
0x5: {  	_ = 	snop  }
0x6: {  	_ = 	snop  }
0x7: {  	_ = 	snop  }
__scs_overlays_trampoline_lowered:
0x8: {  	[smem:$0x3FA9] =	sst s0  }
0x9: {  	[smem:$0x3FAA] =	sst s1  }
0xa: {  	[smem:$0x3FAB] =	sst s2  }
0xb: {  	[smem:$0x3FAC] =	sst s3  }
0xc: {  	[smem:$0x3FAD] =	sst s4  }
0xd: {  	[smem:$0x3FAE] =	sst s5  }
0xe: {  	[smem:$0x3FAF] =	sst s6  }
0xf: {  	[smem:$0x3FB0] =	sst s7  }
0x10: {  	[smem:$0x3FB1] =	sst s8  }
0x11: {  	[smem:$0x3FB2] =	sst s9;
	s0 =	simm.s32 @!p0 $0x0  }
0x12: {  	s1 =	sld [smem:$0x3F98];
	s0 =	simm.s32 @p0 $0x1  }
0x13: {  	[smem:$0x3FB3] =	sst s0;
	s0 =	simm.s32 @!p1 $0x0  }
0x14: {  	s2 =	sld [smem:$0x3F97];
	s0 =	simm.s32 @p1 $0x1  }
0x15: {  	[smem:$0x3FB4] =	sst s0;
	s0 =	simm.s32 @!p2 $0x0  }
0x16: {  	s3 =	sld [smem:$0x3FDB];
	s0 =	simm.s32 @p2 $0x1  }
0x17: {  	s4 =	simm.s32 $0x1BF5;
	[smem:$0x3FB6] =	sst s0  }
0x18: {  	s0 =	sld [smem:$0x3F99];
	_ =	swait.ge [sflag:s4], $0x0  }
0x19: {  	s7 =	sld [smem:$0x3F9A]  }
0x1a: {  	s8 =	sadd.s32 $0xFFFFE003, lr  }
0x1b: {  	s9 =	sadd.s32 $0xFFFFFEF7, lr;
	s5 =	simm.s32 $0xFFFFFFFF;
	p2 =	slt.u32 s8, $0xFFFFF086  }
0x1c: {  	p1 =	slt.u32 s9, $0xF7A;
	s5 =	simm.s32 @!p2 $0x0  }
0x1d: {  	s5 =	simm.s32 @p1 $0x1;
	p0 =	seq.s32 s7, s2  }
0x1e: {  	s7 =	smul.u32 @!p0 $0xF7A, s2;
	p2 =	seq.s32 @!p0 s5, $0x0  }
0x1f: {  	s9 =	smul.u32 $0xF7A, s1;
	s8 =	simm.s32 @!p0 $0x1BF5;
	p2 =	por !p2, p0  }
0x20: {  	[sflag:s8] =	ssyncset.s32 @!p0 $0xFFFFF086;
	s6 =	sadd.s32 @!p0 s3, s7;
	s7 =	simm.s32 @!p0 $0x108  }
0x21: {  	s3 =	sadd.s32 s3, s9;
	s6 =	sadd.s32 @!p0 $0x88, s6;
	s7 =	simm.s32 @p2 $0x1082  }
0x22: {  	[simem:s7], [sflag:s8] =	dma.local @!p0 [hbm:s6], $0xF7A  }
0x23: {  	s9 =	sor.u32 $0xD0000000, s2;
	s6 =	simm.s32 $0x108;
	_ =	swait.ge @!p0 [sflag:s8], $0x0  }
0x24: {  	s3 =	sadd.s32 $0x88, s3;
	s6 =	simm.s32 @!p1 $0x1082;
	[sflag:s4] =	ssyncset.s32 $0xFFFFF086  }
0x25: {  	[simem:s6], [sflag:s4] =	dma.local [hbm:s3], $0xF7A  }
0x26: {  	[smem:$0x3F9A] =	sst s1;
	(tag) =	ssettag s2;
	_ =	strace s9  }
0x27: {  	s1 =	sld [smem:$0x3FAA]  }
0x28: {  	s2 =	sld [smem:$0x3FAB]  }
0x29: {  	s4 =	sld [smem:$0x3FAD]  }
0x2a: {  	p0 =	seq.s32 s5, $0x0;
	s5 =	sld [smem:$0x3FAE]  }
0x2b: {  	s6 =	sld [smem:$0x3FAF]  }
0x2c: {  	s7 =	sld [smem:$0x3FB0]  }
0x2d: {  	s3 =	simm.s32 $0x108;
	s8 =	sld [smem:$0x3FB1]  }
0x2e: {  	s3 =	simm.s32 @!p0 $0x1082;
	s9 =	sld [smem:$0x3FB2]  }
0x2f: {  	lr =	sadd.s32 s0, s3;
	s0 =	sld [smem:$0x3FA9]  }
0x30: {  	s3 =	sld [smem:$0x3FAC]  }
0x31: {  	[smem:$0x3FB5] =	sst s10  }
0x32: {  	s10 =	sld [smem:$0x3FB3];
	_ =	sdelay $0x3  }
0x33: {  	p0 =	seq.s32 s10, $0x1;
	s10 =	sld [smem:$0x3FB5];
	_ =	sdelay $0x3  }
0x34: {  	[smem:$0x3FB5] =	sst s10  }
0x35: {  	s10 =	sld [smem:$0x3FB4];
	_ =	sdelay $0x3  }
0x36: {  	p1 =	seq.s32 s10, $0x1;
	s10 =	sld [smem:$0x3FB5];
	_ =	sdelay $0x3  }
0x37: {  	[smem:$0x3FB5] =	sst s10  }
0x38: {  	s10 =	sld [smem:$0x3FB6]  }
0x39: {  	_ = 	snop;
	(pc) =	sbr.ind lr, $3  }
0x3a: {  	_ = 	snop  }
0x3b: {  	_ = 	snop  }
0x3c: {  	p2 =	seq.s32 s10, $0x1;
	s10 =	sld [smem:$0x3FB5]  }
0x3d: {  	_ =	shalt  }
0x3e: {  	_ =	shalt  }
0x3f: {  	_ =	shalt  }
0x40: {  	_ =	shalt  }
0x41: {  	_ =	shalt  }
0x42: {  	_ =	shalt  }
0x43: {  	_ =	shalt  }
0x44: {  	_ =	shalt  }
0x45: {  	_ =	shalt  }
0x46: {  	_ =	shalt  }
0x47: {  	_ =	shalt  }
0x48: {  	_ =	shalt  }
0x49: {  	_ =	shalt  }
0x4a: {  	_ =	shalt  }
0x4b: {  	_ =	shalt  }
0x4c: {  	_ =	shalt  }
0x4d: {  	_ =	shalt  }
0x4e: {  	_ =	shalt  }
0x4f: {  	_ =	shalt  }
0x50: {  	_ =	shalt  }
0x51: {  	_ =	shalt  }
0x52: {  	_ =	shalt  }
0x53: {  	_ =	shalt  }
0x54: {  	_ =	shalt  }
0x55: {  	_ =	shalt  }
0x56: {  	_ =	shalt  }
0x57: {  	_ =	shalt  }
0x58: {  	_ =	shalt  }
0x59: {  	_ =	shalt  }
0x5a: {  	_ =	shalt  }
0x5b: {  	_ =	shalt  }
0x5c: {  	_ =	shalt  }
0x5d: {  	_ =	shalt  }
0x5e: {  	_ =	shalt  }
0x5f: {  	_ =	shalt  }
0x60: {  	_ =	shalt  }
0x61: {  	_ =	shalt  }
0x62: {  	_ =	shalt  }
0x63: {  	_ =	shalt  }
0x64: {  	_ =	shalt  }
0x65: {  	_ =	shalt  }
0x66: {  	_ =	shalt  }
0x67: {  	_ =	shalt  }
0x68: {  	_ =	shalt  }
0x69: {  	_ =	shalt  }
0x6a: {  	_ =	shalt  }
0x6b: {  	_ =	shalt  }
0x6c: {  	_ =	shalt  }
0x6d: {  	_ =	shalt  }
0x6e: {  	_ =	shalt  }
0x6f: {  	_ =	shalt  }
0x70: {  	_ =	shalt  }
0x71: {  	_ =	shalt  }
0x72: {  	_ =	shalt  }
0x73: {  	_ =	shalt  }
0x74: {  	_ =	shalt  }
0x75: {  	_ =	shalt  }
0x76: {  	_ =	shalt  }
0x77: {  	_ =	shalt  }
0x78: {  	_ =	shalt  }
0x79: {  	_ =	shalt  }
0x7a: {  	_ =	shalt  }
0x7b: {  	_ =	shalt  }
0x7c: {  	_ =	shalt  }
0x7d: {  	_ =	shalt  }
0x7e: {  	_ =	shalt  }
0x7f: {  	_ =	shalt  }
0x80: {  	_ =	shalt  }
0x81: {  	_ =	shalt  }
0x82: {  	_ =	shalt  }
0x83: {  	_ =	shalt  }
0x84: {  	_ =	shalt  }
0x85: {  	_ =	shalt  }
0x86: {  	_ =	shalt  }
0x87: {  	_ =	shalt  }
.Lfunc_end0:
.L_simem_size_0:
called_computation_lowered:
.L_overlay_start_0:
0x88: {  	s2 =	sld [smem:$0x3FD9]  }
0x89: {  	s3 =	sld [smem:$0x3FFE];
	_ =	sdelay $0x1  }
0x8a: {  	s1 =	srdreg.scid  }
0x8b: {  	s0 =	sand.u32 $0x1, s1  }
0x8c: {  	s17 =	sshll.u32 s0, $0xA;
	s2 =	sadd.s32 s3, s2  }
0x8d: {  	s2 =	sadd.s32 s2, s17  }
0x8e: {  	[smem:$0x3FC1] =	sst s2  }
0x8f: {  	_ = 	snop  }
0x90: {  	s2 =	sld [smem:$0x3FD0];
	(tm) =	ssettm $0x1  }
0x91: {  	s18 =	sld [smem:$0x3FFB];
	_ =	sdelay $0x3  }
0x92: {  	_ =	strace s18  }
0x93: {  	s3 =	sld [smem:$0x3FFC];
	_ =	sdelay $0x3  }
0x94: {  	_ =	strace s3  }
0x95: {  	s3 =	sld [smem:$0x3FFD];
	_ =	sdelay $0x3  }
0x96: {  	_ =	strace s3  }
0x97: {  	_ =	strace $0x8FFFFFFF  }
0x98: {  	s19 =	sld [smem:$0x3FDB];
	_ =	sdelay $0x1  }
0x99: {  	s4 =	simm.s32 $_scs_section_size  }
0x9a: {  	s5 =	simm.s32 $_size__tile_overlayer_lowered;
	s6 =	simm.s32 $_tile_overlayer_lowered  }
0x9b: {  	s22 =	simm.s32 $0x1BFF;
	s21 =	sshll.u32 s6, $0x1;
	s3 =	sadd.s32 s4, s19  }
0x9c: {  	s7 =	simm.s32 $0x0;
	s20 =	sshll.u32 s5, $0x1;
	s5 =	sadd.s32 s21, s3  }
0x9d: {  	[timem:s7], [sflag:s22] =	dma.local [hbm:s5], s20  }
0x9e: {  	_ =	swait.ge [sflag:s22], s20  }
0x9f: {  	s4 =	ssub.s32 $0x0, s20;
	[sflag:s22] =	ssyncset.done $0x0  }
0xa0: {  	[sflag:s22] =	ssyncadd.s32 s4;
	_ =	sdelay $0x1  }
0xa1: {  	s23 =	simm.s32 $0x1B8B  }
0xa2: {  	_ =	swait.ge [sflag:s23], $0x1  }
0xa3: {  	[sflag:s23] =	ssyncset.done $0x0  }
0xa4: {  	s25 =	simm.s32 $0x1B8E;
	s24 =	sld [smem:$0x3FFE];
	[sflag:s23] =	ssyncadd.s32 $0xFFFFFFFF  }
0xa5: {  	s26 =	simm.s32 $execute0_lowered;
	[smem:$0x3FD2] =	sst s25  }
0xa6: {  	s5 =	sshll.u32 s26, $0x1;
	_ =	strace $0x80000046;
	[dreg:$0x1] =	wrdreg $0xFFFFFFFF  }
0xa7: {  	s28 =	simm.s32 $_size_execute0_lowered;
	s3 =	sadd.s32 s3, s5;
	[dreg:$0x0] =	wrdreg $0x0  }
0xa8: {  	s5 =	sshll.u32 s28, $0x1;
	[dreg:$0x2] =	wrdreg s3  }
0xa9: {  	[dreg:$0x3] =	wrdreg s5  }
0xaa: {  	[dreg:$0x4] =	wrdreg $0xC0  }
0xab: {  	_ =	task [dreg:s7], $0x5FFFF  }
0xac: {  	[dreg:$0x1] =	wrdreg $0xFFFFFFFF  }
0xad: {  	[dreg:$0x0] =	wrdreg $0x60  }
0xae: {  	[dreg:$0x2] =	wrdreg s24  }
0xaf: {  	[dreg:$0x3] =	wrdreg s2  }
0xb0: {  	[dreg:$0x4] =	wrdreg $0x4C000  }
0xb1: {  	[dreg:$0x5] =	wrdreg $0x9  }
0xb2: {  	_ =	task.clear_ibuf [dreg:s7], $0x6FFFF;
	_ =	strace $0x90000046  }
0xb3: {  	s29 =	simm.s32 $0x9;
	_ =	strace $0x80000048  }
0xb4: {  	_ =	swait.ge [sflag:s29], $0x1  }
0xb5: {  	[sflag:s29] =	ssyncadd.s32 $0xFFFFFFFF  }
0xb6: {  	_ =	strace $0x90000048  }
0xb7: {  	_ =	sfence  }
0xb8: {  	s30 =	sld [smem:$0x0];
	_ =	sdelay $0x2  }
0xb9: {  	s31 =	sshll.u32 s1, $0xD;
	s1 =	sshrl.u32 s1, $0x2  }
0xba: {  	s3 =	sand.u32 $0x4000, s31;
	s1 =	sadd.s32 s1, s30  }
0xbb: {  	s0 =	sor.u32 s3, s0;
	s1 =	sshll.u32 s1, $0x11  }
0xbc: {  	s0 =	sor.u32 s1, s0  }
0xbd: {  	s0 =	sadd.s32 $0x8F2B, s0  }
0xbe: {  	[sflag:s0] =	ssyncadd.remote.s32 $0x1  }
0xbf: {  	_ =	sfence.sel $0xFFFF  }
0xc0: {  	[dreg:$0x0] =	wrdreg $0xFFFFFFFF;
	(pc) =	sbr.abs _section_cstart, $3  }
0xc1: {  	[dreg:$0x1] =	wrdreg $0xFFFFFFFF  }
0xc2: {  	_ =	task.clear_ibuf [dreg:s7], $0x2FFFF;
	_ =	strace $0x9FFFFFFF  }
0xc3: {  	(tm) =	ssettm $0x7FFFFFFF  }
tec
execute0_lowered:
.L_overlay_start_1:
0x0: {  	(tag) =	ssettag $0x1  }
0x1: {  	s0 =	rddreg [dreg:$0x0]  }
0x2: {  	s3 =	rddreg [dreg:$0x2]  }
0x3: {  	s1 =	srdreg.scid;
	s10 =	stileid.u32;
	s11 =	simm.s32 $0x0  }
0x4: {  	s14 =	simm.s32 $0x3;
	s15 =	simm.s32 $0x400;
	s16 =	simm.s32 $0x800  }
0x5: {  	s17 =	simm.s32 $0x1;
	s18 =	simm.s32 $0x80;
	s19 =	simm.s32 $0xC00  }
0x6: {  	s20 =	simm.s32 $0x1400;
	s22 =	simm.s32 $0x1C00;
	s24 =	simm.s32 $0x2400  }
0x7: {  	s29 =	simm.s32 $0x3400;
	s31 =	simm.s32 $0x3C00;
	s12 =	simm.s32 $0x500  }
0x8: {  	s13 =	simm.s32 $0x600;
	s21 =	simm.s32 $0x700;
	s23 =	simm.s32 $0x780  }
0x9: {  	s1 =	sand.u32 $0x1, s1;
	s2 =	smul.u32 $0x18700, s10;
	[smem:$0x7FF] =	sst s11  }
0xa: {  	s5 =	sadd.s32 $0x1400, s0;
	s6 =	sadd.s32 $0x63400, s0;
	s7 =	sadd.s32 $0xF6200, s0  }
0xb: {  	s8 =	sadd.s32 $0xC5400, s0;
	s26 =	sshll.u32 s10, $0x6;
	s4 =	smul.u32 $0x187000, s1  }
0xc: {  	_ =	strace $0x80000047;
	s9 =	ssub.s32 $0x2, s1;
	s1 =	sshll.u32 s1, $0x4  }
0xd: {  	s25 =	sshrl.u32 s9, $0x1;
	s1 =	sor.u32 s10, s1;
	s4 =	sadd.s32 s2, s4  }
0xe: {  	s2 =	sadd.s32 s2, s3;
	s10 =	smul.u32 $0x18800, s1;
	s4 =	sshrl.u32 s4, $0x3  }
0xf: {  	s1 =	simm.s32 $0x4400;
	s28 =	sshrl.u32 s2, $0x3;
	s0 =	sadd.s32 s4, s0  }
0x10: {  	s4 =	ssub.s32 s9, s25;
	s25 =	sor.u32 $0x1C03, s26;
	[dreg:$0x8] =	wrdreg s28  }
0x11: {  	s2 =	simm.s32 $0x2;
	s0 =	sadd.s32 $0x158200, s0;
	[dreg:$0x5] =	wrdreg s25  }
0x12: {  	s26 =	simm.s32 $0x2C00;
	s30 =	smax.u32 s4, $0x1;
	[dreg:$0x6] =	wrdreg s0  }
0x13: {  	v0 =	vlaneseq.u32;
	s9 =	simm.s32 $0x580;
	s4 =	simm.s32 $0x680;
	[dreg:$0x7] =	wrdreg s30  }
.LBB2_1:
0x14: {  	[dreg:$0x4] =	wrdreg s11  }
0x15: {  	s0 =	rddreg [dreg:$0x1]  }
0x16: {  	[spmem:s28], [sflag:s25] =	dma.local [hbm:s0], $0x30E0  }
0x17: {  	_ =	swait.ge [sflag:s14], $0x30E0  }
0x18: {  	[sflag:s14] =	ssyncset.done $0x0  }
0x19: {  	[sflag:s14] =	ssyncadd.s32 $0xFFFFCF20  }
0x1a: {  	s25 =	simm.s32 $0x0;
	[bflag:$0x0] =	sbarrier.arrive $0xFFFF  }
.LBB2_2:
0x1b: {  	s28 =	sshll.u32 s25, $0xA  }
0x1c: {  	s28 =	sadd.s32 s10, s28  }
0x1d: {  	s28 =	sshrl.u32 s28, $0x3  }
0x1e: {  	s0 =	simm.s32 $0x0;
	s30 =	sadd.s32 s5, s28  }
0x1f: {  	[tilespmem:s0], [sflag:$0x1] =	stream.linear.gather [hbm4b:s30+s0], $0x400, $0x38;
	[tilespmem:$0x1D300] =	vst v63  }
0x20: {  	s30 =	sadd.s32 s6, s28  }
0x21: {  	[tilespmem:s15], [sflag:$0x1] =	stream.linear.gather [hbm4b:s30+s0], $0x400, $0x38;
	[tilespmem:$0x1D300] =	vst v63  }
0x22: {  	s28 =	sadd.s32 s7, s28  }
0x23: {  	[tilespmem:s16], [sflag:$0x1] =	stream.linear.gather [hbm4b:s28+s0], $0x400, $0x38;
	[tilespmem:$0x1D300] =	vst v63  }
0x24: {  	_ =	swait.ge [sflag:s17], $0x400  }
0x25: {  	[sflag:s17] =	ssyncset.done $0x0  }
0x26: {  	[sflag:s17] =	ssyncadd.s32 $0xFFFFFC00  }
0x27: {  	_ =	swait.ge [sflag:s17], $0x400  }
0x28: {  	[sflag:s17] =	ssyncset.done $0x0  }
0x29: {  	[sflag:s17] =	ssyncadd.s32 $0xFFFFFC00  }
0x2a: {  	_ =	swait.ge [sflag:s17], $0x400  }
0x2b: {  	[sflag:s17] =	ssyncset.done $0x0  }
0x2c: {  	[sflag:s17] =	ssyncadd.s32 $0xFFFFFC00  }
0x2d: {  	[tilespmem:s19], [sflag:$0x2] =	stream.indirect.gather [hbm4b:s8+s18], $0x10, s0, s18, $0xb8;
	[tilespmem:$0x1D300] =	vst v63  }
0x2e: {  	_ = 	snop  }
0x2f: {  	[tilespmem:s20], [sflag:$0x2] =	stream.indirect.gather [hbm4b:s8+s18], $0x10, s18, s18, $0xb8;
	[tilespmem:$0x1D300] =	vst v63  }
0x30: {  	s11 =	simm.s32 $0x100  }
0x31: {  	[tilespmem:s22], [sflag:$0x2] =	stream.indirect.gather [hbm4b:s8+s18], $0x10, s11, s18, $0xb8;
	[tilespmem:$0x1D300] =	vst v63  }
0x32: {  	s11 =	simm.s32 $0x180  }
0x33: {  	[tilespmem:s24], [sflag:$0x2] =	stream.indirect.gather [hbm4b:s8+s18], $0x10, s11, s18, $0xb8;
	[tilespmem:$0x1D300] =	vst v63  }
0x34: {  	s11 =	simm.s32 $0x200  }
0x35: {  	[tilespmem:s26], [sflag:$0x2] =	stream.indirect.gather [hbm4b:s8+s18], $0x10, s11, s18, $0xb8;
	[tilespmem:$0x1D300] =	vst v63  }
0x36: {  	s11 =	simm.s32 $0x280  }
0x37: {  	[tilespmem:s29], [sflag:$0x2] =	stream.indirect.gather [hbm4b:s8+s18], $0x10, s11, s18, $0xb8;
	[tilespmem:$0x1D300] =	vst v63  }
0x38: {  	s11 =	simm.s32 $0x300  }
0x39: {  	[tilespmem:s31], [sflag:$0x2] =	stream.indirect.gather [hbm4b:s8+s18], $0x10, s11, s18, $0xb8;
	[tilespmem:$0x1D300] =	vst v63  }
0x3a: {  	s11 =	simm.s32 $0x380  }
0x3b: {  	[tilespmem:s1], [sflag:$0x2] =	stream.indirect.gather [hbm4b:s8+s18], $0x10, s11, s18, $0xb8;
	[tilespmem:$0x1D300] =	vst v63  }
0x3c: {  	_ =	swait.ge [sflag:s2], $0x800  }
0x3d: {  	[sflag:s2] =	ssyncset.done $0x0  }
0x3e: {  	[sflag:s2] =	ssyncadd.s32 $0xFFFFF800  }
0x3f: {  	_ =	swait.ge [sflag:s2], $0x800  }
0x40: {  	[sflag:s2] =	ssyncset.done $0x0  }
0x41: {  	[sflag:s2] =	ssyncadd.s32 $0xFFFFF800  }
0x42: {  	_ =	swait.ge [sflag:s2], $0x800  }
0x43: {  	[sflag:s2] =	ssyncset.done $0x0  }
0x44: {  	[sflag:s2] =	ssyncadd.s32 $0xFFFFF800  }
0x45: {  	_ =	swait.ge [sflag:s2], $0x800  }
0x46: {  	[sflag:s2] =	ssyncset.done $0x0  }
0x47: {  	[sflag:s2] =	ssyncadd.s32 $0xFFFFF800  }
0x48: {  	_ =	swait.ge [sflag:s2], $0x800  }
0x49: {  	[sflag:s2] =	ssyncset.done $0x0  }
0x4a: {  	[sflag:s2] =	ssyncadd.s32 $0xFFFFF800  }
0x4b: {  	_ =	swait.ge [sflag:s2], $0x800  }
0x4c: {  	[sflag:s2] =	ssyncset.done $0x0  }
0x4d: {  	[sflag:s2] =	ssyncadd.s32 $0xFFFFF800  }
0x4e: {  	v1 =	vmov s0;
	_ =	swait.ge [sflag:s2], $0x800  }
0x4f: {  	v2 =	vshll.u32 v1, $0x4;
	[sflag:s2] =	ssyncset.done $0x0  }
0x50: {  	v2 =	vor.u32 v0, v2;
	[sflag:s2] =	ssyncadd.s32 $0xFFFFF800  }
0x51: {  	_ =	swait.ge [sflag:s2], $0x800  }
0x52: {  	[sflag:s2] =	ssyncset.done $0x0  }
0x53: {  	[sflag:s2] =	ssyncadd.s32 $0xFFFFF800  }
0x54: {  	v1 =	vld.idx.msk [tilespmem:v1+s16+$0x0], $0xffff  }
0x55: {  	v3 =	vld.idx.msk [tilespmem:v2+s19+$0x0], $0xffff  }
0x56: {  	s11 =	simm.s32 $0x1  }
0x57: {  	v4 =	vmov s11  }
0x58: {  	v5 =	vshll.u32 v4, $0x4  }
0x59: {  	v5 =	vor.u32 v0, v5  }
0x5a: {  	v1 =	vmul.f32 v3, v1;
	_ =	sdelay $0x1  }
0x5b: {  	[tilespmem:v2+s19+$0x0] =	vst.idx.msk $0xffff, v1  }
0x5c: {  	v1 =	vld.idx.msk [tilespmem:v4+s16+$0x0], $0xffff  }
0x5d: {  	v2 =	vld.idx.msk [tilespmem:v5+s19+$0x0], $0xffff  }
0x5e: {  	s11 =	simm.s32 $0x2  }
0x5f: {  	v3 =	vmov s11  }
0x60: {  	v4 =	vshll.u32 v3, $0x4  }
0x61: {  	v4 =	vor.u32 v0, v4  }
0x62: {  	v1 =	vmul.f32 v2, v1;
	_ =	sdelay $0x1  }
0x63: {  	[tilespmem:v5+s19+$0x0] =	vst.idx.msk $0xffff, v1  }
0x64: {  	v2 =	vld.idx.msk [tilespmem:v3+s16+$0x0], $0xffff  }
0x65: {  	v3 =	vld.idx.msk [tilespmem:v4+s19+$0x0], $0xffff  }
0x66: {  	s11 =	simm.s32 $0x3  }
0x67: {  	v5 =	vmov s11  }
0x68: {  	v1 =	vshll.u32 v5, $0x4  }
0x69: {  	v1 =	vor.u32 v0, v1  }
0x6a: {  	v2 =	vmul.f32 v3, v2;
	_ =	sdelay $0x1  }
0x6b: {  	[tilespmem:v4+s19+$0x0] =	vst.idx.msk $0xffff, v2  }
0x6c: {  	v2 =	vld.idx.msk [tilespmem:v5+s16+$0x0], $0xffff  }
0x6d: {  	v4 =	vld.idx.msk [tilespmem:v1+s19+$0x0], $0xffff  }
0x6e: {  	s28 =	simm.s32 $0x4  }
0x6f: {  	v3 =	vmov s28  }
0x70: {  	s30 =	simm.s32 $0x8;
	v5 =	vshll.u32 v3, $0x4  }
.LBB2_3:
0x71: {  	p0 =	slt.u32 s30, $0x3FC;
	v5 =	vor.u32 v0, v5;
	s0 =	smov.u32 s30;
	s30 =	sadd.s32 $0x4, s30  }
0x72: {  	v2 =	vmul.f32 v4, v2;
	_ =	sdelay $0x1  }
0x73: {  	[tilespmem:v1+s19+$0x0] =	vst.idx.msk $0xffff, v2  }
0x74: {  	v1 =	vld.idx.msk [tilespmem:v3+s16+$0x0], $0xffff  }
0x75: {  	v2 =	vld.idx.msk [tilespmem:v5+s19+$0x0], $0xffff  }
0x76: {  	s11 =	sadd.s32 $0x1, s28  }
0x77: {  	v3 =	vmov s11  }
0x78: {  	v4 =	vshll.u32 v3, $0x4  }
0x79: {  	v4 =	vor.u32 v0, v4;
	_ =	sdelay $0x1  }
0x7a: {  	v1 =	vmul.f32 v2, v1;
	_ =	sdelay $0x1  }
0x7b: {  	[tilespmem:v5+s19+$0x0] =	vst.idx.msk $0xffff, v1  }
0x7c: {  	v1 =	vld.idx.msk [tilespmem:v3+s16+$0x0], $0xffff  }
0x7d: {  	v2 =	vld.idx.msk [tilespmem:v4+s19+$0x0], $0xffff  }
0x7e: {  	s11 =	sadd.s32 $0x2, s28  }
0x7f: {  	v3 =	vmov s11  }
0x80: {  	v5 =	vshll.u32 v3, $0x4  }
0x81: {  	v5 =	vor.u32 v0, v5;
	_ =	sdelay $0x1  }
0x82: {  	v1 =	vmul.f32 v2, v1;
	_ =	sdelay $0x1  }
0x83: {  	[tilespmem:v4+s19+$0x0] =	vst.idx.msk $0xffff, v1  }
0x84: {  	v2 =	vld.idx.msk [tilespmem:v3+s16+$0x0], $0xffff  }
0x85: {  	v3 =	vld.idx.msk [tilespmem:v5+s19+$0x0], $0xffff  }
0x86: {  	s11 =	sadd.s32 $0x3, s28;
	s28 =	smov.u32 s0  }
0x87: {  	v4 =	vmov s11  }
0x88: {  	v1 =	vshll.u32 v4, $0x4  }
0x89: {  	v1 =	vor.u32 v0, v1;
	_ =	sdelay $0x1  }
0x8a: {  	v2 =	vmul.f32 v3, v2;
	_ =	sdelay $0x1  }
0x8b: {  	[tilespmem:v5+s19+$0x0] =	vst.idx.msk $0xffff, v2  }
0x8c: {  	v2 =	vld.idx.msk [tilespmem:v4+s16+$0x0], $0xffff  }
.Ltmp0:
0x8d: {  	v4 =	vld.idx.msk [tilespmem:v1+s19+$0x0], $0xffff;
	(pc) =	sbr.rel @p0 .LBB2_3-.Ltmp0, $3  }
0x8e: {  	_ =	sdelay $0x1  }
0x8f: {  	v3 =	vmov s28  }
0x90: {  	v5 =	vshll.u32 v3, $0x4  }
0x91: {  	_ = 	snop  }
0x92: {  	v5 =	vor.u32 v0, v5  }
0x93: {  	v2 =	vmul.f32 v4, v2;
	_ =	sdelay $0x1  }
0x94: {  	[tilespmem:v1+s19+$0x0] =	vst.idx.msk $0xffff, v2  }
0x95: {  	v1 =	vld.idx.msk [tilespmem:v3+s16+$0x0], $0xffff  }
0x96: {  	v2 =	vld.idx.msk [tilespmem:v5+s19+$0x0], $0xffff  }
0x97: {  	s0 =	sadd.s32 $0x1, s28  }
0x98: {  	v3 =	vmov s0  }
0x99: {  	v61 =	vshll.u32 v3, $0x4  }
0x9a: {  	v4 =	vor.u32 v0, v61  }
0x9b: {  	v1 =	vmul.f32 v2, v1;
	_ =	sdelay $0x1  }
0x9c: {  	[tilespmem:v5+s19+$0x0] =	vst.idx.msk $0xffff, v1  }
0x9d: {  	v1 =	vld.idx.msk [tilespmem:v3+s16+$0x0], $0xffff  }
0x9e: {  	v2 =	vld.idx.msk [tilespmem:v4+s19+$0x0], $0xffff  }
0x9f: {  	s11 =	sadd.s32 $0x2, s28  }
0xa0: {  	v3 =	vmov s11  }
0xa1: {  	v62 =	vshll.u32 v3, $0x4  }
0xa2: {  	v5 =	vor.u32 v0, v62  }
0xa3: {  	v1 =	vmul.f32 v2, v1;
	_ =	sdelay $0x1  }
0xa4: {  	[tilespmem:v4+s19+$0x0] =	vst.idx.msk $0xffff, v1  }
0xa5: {  	v1 =	vld.idx.msk [tilespmem:v3+s16+$0x0], $0xffff  }
0xa6: {  	v2 =	vld.idx.msk [tilespmem:v5+s19+$0x0], $0xffff  }
0xa7: {  	s28 =	sadd.s32 $0x3, s28  }
0xa8: {  	v3 =	vmov s28  }
0xa9: {  	v63 =	vshll.u32 v3, $0x4  }
0xaa: {  	v4 =	vor.u32 v0, v63  }
0xab: {  	v1 =	vmul.f32 v2, v1;
	_ =	sdelay $0x1  }
0xac: {  	[tilespmem:v5+s19+$0x0] =	vst.idx.msk $0xffff, v1  }
0xad: {  	v1 =	vld.idx.msk [tilespmem:v3+s16+$0x0], $0xffff  }
0xae: {  	v2 =	vld.idx.msk [tilespmem:v4+s19+$0x0], $0xffff;
	_ =	sdelay $0x4  }
0xaf: {  	v1 =	vmul.f32 v2, v1;
	_ =	sdelay $0x1  }
0xb0: {  	[tilespmem:v4+s19+$0x0] =	vst.idx.msk $0xffff, v1  }
0xb1: {  	[spmem:s3] =	stream.indirect.scatter.add.f32 [tilespmem:s19], [sflag:$0x3], $0x10, s15, s18, $0xb8;
	[tilespmem:$0x1D300] =	vst v63  }
0xb2: {  	_ =	swait.ge [sflag:s14], $0x800  }
0xb3: {  	[sflag:s14] =	ssyncset.done $0x0  }
0xb4: {  	s30 =	simm.s32 $0x480;
	[sflag:s14] =	ssyncadd.s32 $0xFFFFF800  }
0xb5: {  	[spmem:s3] =	stream.indirect.scatter.add.f32 [tilespmem:s20], [sflag:$0x3], $0x10, s30, s18, $0xb8;
	[tilespmem:$0x1D300] =	vst v63  }
0xb6: {  	_ =	swait.ge [sflag:s14], $0x800  }
0xb7: {  	[sflag:s14] =	ssyncset.done $0x0  }
0xb8: {  	[sflag:s14] =	ssyncadd.s32 $0xFFFFF800  }
0xb9: {  	[spmem:s3] =	stream.indirect.scatter.add.f32 [tilespmem:s22], [sflag:$0x3], $0x10, s12, s18, $0xb8;
	[tilespmem:$0x1D300] =	vst v63  }
0xba: {  	_ =	swait.ge [sflag:s14], $0x800  }
0xbb: {  	[sflag:s14] =	ssyncset.done $0x0  }
0xbc: {  	[sflag:s14] =	ssyncadd.s32 $0xFFFFF800  }
0xbd: {  	[spmem:s3] =	stream.indirect.scatter.add.f32 [tilespmem:s24], [sflag:$0x3], $0x10, s9, s18, $0xb8;
	[tilespmem:$0x1D300] =	vst v63  }
0xbe: {  	_ =	swait.ge [sflag:s14], $0x800  }
0xbf: {  	[sflag:s14] =	ssyncset.done $0x0  }
0xc0: {  	[sflag:s14] =	ssyncadd.s32 $0xFFFFF800  }
0xc1: {  	[spmem:s3] =	stream.indirect.scatter.add.f32 [tilespmem:s26], [sflag:$0x3], $0x10, s13, s18, $0xb8;
	[tilespmem:$0x1D300] =	vst v63  }
0xc2: {  	_ =	swait.ge [sflag:s14], $0x800  }
0xc3: {  	[sflag:s14] =	ssyncset.done $0x0  }
0xc4: {  	[sflag:s14] =	ssyncadd.s32 $0xFFFFF800  }
0xc5: {  	[spmem:s3] =	stream.indirect.scatter.add.f32 [tilespmem:s29], [sflag:$0x3], $0x10, s4, s18, $0xb8;
	[tilespmem:$0x1D300] =	vst v63  }
0xc6: {  	_ =	swait.ge [sflag:s14], $0x800  }
0xc7: {  	[sflag:s14] =	ssyncset.done $0x0  }
0xc8: {  	[sflag:s14] =	ssyncadd.s32 $0xFFFFF800  }
0xc9: {  	[spmem:s3] =	stream.indirect.scatter.add.f32 [tilespmem:s31], [sflag:$0x3], $0x10, s21, s18, $0xb8;
	[tilespmem:$0x1D300] =	vst v63  }
0xca: {  	s25 =	sadd.s32 $0x1, s25;
	_ =	swait.ge [sflag:s14], $0x800  }
0xcb: {  	p0 =	sne.s32 s25, $0x62;
	[sflag:s14] =	ssyncset.done $0x0  }
.Ltmp1:
0xcc: {  	[sflag:s14] =	ssyncadd.s32 $0xFFFFF800;
	(pc) =	sbr.rel @p0 .LBB2_2-.Ltmp1, $4  }
0xcd: {  	[spmem:s3] =	stream.indirect.scatter.add.f32 [tilespmem:s1], [sflag:$0x3], $0x10, s23, s18, $0xb8;
	[tilespmem:$0x1D300] =	vst v63  }
0xce: {  	_ =	swait.ge [sflag:s14], $0x800  }
0xcf: {  	[sflag:s14] =	ssyncset.done $0x0  }
0xd0: {  	[sflag:s14] =	ssyncadd.s32 $0xFFFFF800  }
0xd1: {  	[bflag:$0x0] =	sbarrier.arrive $0xFFFF  }
0xd2: {  	s25 =	rddreg [dreg:$0x5]  }
0xd3: {  	s0 =	rddreg [dreg:$0x6]  }
0xd4: {  	s28 =	rddreg [dreg:$0x8]  }
0xd5: {  	[hbm:s0], [sflag:s25] =	dma.local [spmem:s28], $0x30E0  }
0xd6: {  	_ =	swait.ge [sflag:s14], $0x30E0  }
0xd7: {  	s11 =	rddreg [dreg:$0x4]  }
0xd8: {  	s30 =	rddreg [dreg:$0x7];
	s11 =	sadd.s32 $0x1, s11  }
0xd9: {  	p0 =	sne.s32 s11, s30  }
.Ltmp2:
0xda: {  	_ = 	snop;
	(pc) =	sbr.rel @p0 .LBB2_1-.Ltmp2, $3  }
0xdb: {  	_ =	sdelay $0x1  }
0xdc: {  	[sflag:s14] =	ssyncset.done $0x0  }
0xdd: {  	[sflag:s14] =	ssyncadd.s32 $0xFFFFCF20  }
0xde: {  	_ =	sfence.sel $0x180000  }
0xdf: {  	[bflag:$0x0] =	sbarrier.arrive $0xFFFF  }
0xe0: {  	_ =	strace $0x90000047  }
0xe1: {  	s0 =	stileid.u32;
	[bflag:$0x2] =	sbarrier.arrive $0xFFFF  }
0xe2: {  	p0 =	sne.s32 s0, $0x0;
	s0 =	rddreg [dreg:$0x3]  }
0xe3: {  	s0 =	sadd.s32 @!p0 $0x100000, s0  }
0xe4: {  	[sflag:s0] =	ssyncadd.tile.s32 @!p0 $0x1;
	_ =	shalt  }
.Lfunc_end2:
_tile_overlayer_lowered:
.L_overlay_start_2:
0xe5: {  	(tag) =	ssettag $0x2  }
0xe6: {  	s0 =	rddreg [dreg:$0x0];
	s2 =	stileid.u32  }
0xe7: {  	s1 =	rddreg [dreg:$0x1];
	p0 =	sne.s32 s2, $0x0  }
0xe8: {  	s3 =	rddreg [dreg:$0x2];
	[bflag:$0x3] =	sbarrier.arrive $0xFFFF;
	s2 =	simm.s32 @!p0 $0x1C03  }
0xe9: {  	[timem:s3], [sflag:s2] =	dma.local @!p0 [hbm:s0], s1  }
0xea: {  	s0 =	simm.s32 @!p0 $0x3  }
0xeb: {  	_ =	swait.ge @!p0 [sflag:s0], s1  }
0xec: {  	s1 =	ssub.s32 @!p0 $0x0, s1;
	[sflag:s0] =	ssyncset.done @!p0 $0x0  }
0xed: {  	[sflag:s0] =	ssyncadd.s32 @!p0 s1  }
0xee: {  	[bflag:$0x3] =	sbarrier.arrive $0xFFFF  }
0xef: {  	_ =	shalt  }

</sc_bundles>
